<compile_context>
chip_gen: v7x
topology: tpu7x:2x2x1
jax: 0.10.2.dev20260603
libtpu: 0.0.44.dev20260713+nightly
codegen_flags: <defaults>
</compile_context>

<pallas_src>
import functools

import jax
import jax.numpy as jnp
import numpy as np
from jax import lax
from jax.experimental import pallas as pl
from jax.experimental.pallas import tpu as pltpu
from jax.experimental.pallas import tpu_sc as plsc

_N = 1048576
_NUM_CORES = 2
_NUM_SUBCORES = 16
_LANES = 16
_NUM_WORKERS = _NUM_CORES * _NUM_SUBCORES

_MAIN = 30720
_CHUNKS = 2
_CHUNK = _MAIN // _CHUNKS
_TAIL = 4096
_TAIL_BASE = _MAIN * _NUM_WORKERS

_BINS = np.arange(-8.0, 8.0, 0.25).astype(np.float32)
_T = (1.0 / (1.0 + np.exp(-_BINS.astype(np.float64)))).astype(np.float32)
_TLO = _T.copy()
_TLO[0] = 0.0
_J = np.clip(np.arange(80) - 5, 0, 63)
_TLO_EXT = _TLO[_J].astype(np.float32)
_OUT_EXT = _BINS[_J].astype(np.float32)

_SCALE = np.float32(4.0 * np.log(2.0) / 2.0**23)
_BIAS = np.float32(32.0 + 0.25 + 5.0)

_UNROLL = 8


def _body(x_hbm, tlo_hbm, out_tab_hbm, out_hbm, xv, ov, tlov, otv, insem,
          outsem):
    s = lax.axis_index("s")
    c = lax.axis_index("c")
    wid = s * _NUM_CORES + c
    base = wid * _MAIN
    tail_base = _TAIL_BASE + s * _TAIL

    in_copies = [
        pltpu.async_copy(
            x_hbm.at[pl.ds(base + k * _CHUNK, _CHUNK)],
            xv.at[pl.ds(k * _CHUNK, _CHUNK)],
            insem.at[k],
        )
        for k in range(_CHUNKS)
    ]

    @pl.when(c == 1)
    def _issue_tail():
        pltpu.async_copy(
            x_hbm.at[pl.ds(tail_base, _TAIL)],
            xv.at[pl.ds(_MAIN, _TAIL)],
            insem.at[_CHUNKS],
        )

    pltpu.sync_copy(tlo_hbm, tlov)
    pltpu.sync_copy(out_tab_hbm, otv)

    def compute(lo, hi):
        @plsc.parallel_loop(lo, hi, step=_LANES, unroll=_UNROLL)
        def _(off):
            x = xv[pl.ds(off, _LANES)]
            bx = lax.bitcast_convert_type(x, jnp.int32)
            bt = lax.bitcast_convert_type(1.0 - x, jnp.int32)
            d = (bx - bt).astype(jnp.float32)
            gidx = (d * _SCALE + _BIAS).astype(jnp.int32)
            tlo = plsc.load_gather(tlov, [gidx])
            gidx = gidx - (x < tlo).astype(jnp.int32)
            ov[pl.ds(off, _LANES)] = plsc.load_gather(otv, [gidx])

    for k in range(_CHUNKS):
        in_copies[k].wait()
        compute(k * _CHUNK, (k + 1) * _CHUNK)
        pltpu.async_copy(
            ov.at[pl.ds(k * _CHUNK, _CHUNK)],
            out_hbm.at[pl.ds(base + k * _CHUNK, _CHUNK)],
            outsem.at[k],
        )

    @pl.when(c == 1)
    def _tail_work():
        pltpu.make_async_copy(
            x_hbm.at[pl.ds(tail_base, _TAIL)],
            xv.at[pl.ds(_MAIN, _TAIL)],
            insem.at[_CHUNKS],
        ).wait()
        compute(_MAIN, _MAIN + _TAIL)
        pltpu.async_copy(
            ov.at[pl.ds(_MAIN, _TAIL)],
            out_hbm.at[pl.ds(tail_base, _TAIL)],
            outsem.at[_CHUNKS],
        )

    for k in range(_CHUNKS):
        pltpu.make_async_copy(
            ov.at[pl.ds(k * _CHUNK, _CHUNK)],
            out_hbm.at[pl.ds(base + k * _CHUNK, _CHUNK)],
            outsem.at[k],
        ).wait()

    @pl.when(c == 1)
    def _drain_tail():
        pltpu.make_async_copy(
            ov.at[pl.ds(_MAIN, _TAIL)],
            out_hbm.at[pl.ds(tail_base, _TAIL)],
            outsem.at[_CHUNKS],
        ).wait()


_sc_call = functools.partial(
    pl.kernel,
    out_type=jax.ShapeDtypeStruct((_N,), jnp.float32),
    mesh=plsc.VectorSubcoreMesh(core_axis_name="c", subcore_axis_name="s"),
    compiler_params=pltpu.CompilerParams(needs_layout_passes=False),
    scratch_types=[
        pltpu.VMEM((_MAIN + _TAIL,), jnp.float32),
        pltpu.VMEM((_MAIN + _TAIL,), jnp.float32),
        pltpu.VMEM((80,), jnp.float32),
        pltpu.VMEM((80,), jnp.float32),
        pltpu.SemaphoreType.DMA((_CHUNKS + 1,)),
        pltpu.SemaphoreType.DMA((_CHUNKS + 1,)),
    ],
)(_body)


@jax.jit
def kernel(Xs):
    return _sc_call(Xs, jnp.asarray(_TLO_EXT), jnp.asarray(_OUT_EXT))

# --- scband reference (transcript-rebuilt; emitter-appended) ---
"""Pipeline reference for scband-log-odds-performance-transformer-23287312679081 (READ-ONLY COPY).

The authoritative reference and input builder live on the scoring server;
editing this copy changes nothing except your own understanding.
"""

import jax, jax.numpy as jnp
import numpy as np

# bins per init_kwargs: arange(-8, 8, 0.25) -> 64 bins
BINS = np.arange(-8.0, 8.0, 0.25).astype(np.float32)
BIN_WIDTHS = np.zeros_like(BINS)
BIN_WIDTHS[:-1] = BINS[1:] - BINS[:-1]
BIN_WIDTHS[-1] = np.inf

N = 1048576


def setup_inputs(seed: int = 0) -> dict:
    key = jax.random.key(seed)
    # probabilities strictly inside (0, 1) so log-odds are finite
    Xs = jax.random.uniform(key, (N,), dtype=jnp.float32, minval=1e-4, maxval=1.0 - 1e-4)
    return {"Xs": Xs}


def reference(Xs):
    bins = jnp.asarray(BINS)
    widths = jnp.asarray(BIN_WIDTHS)
    # get_scores(use_gradients=True): log-odds transform
    scores = jnp.log(Xs) - jnp.log(1.0 - Xs)
    # discretize(use_gradients=True): clamp a detached copy to bins[0], bin it,
    # then apply straight-through estimator.
    s = jnp.where(scores < bins[0], bins[0], scores)
    bin_deltas = s[:, None] - bins[None, :]
    bin_width_deltas = widths[None, :] - bin_deltas
    mask = (bin_deltas >= 0) & (bin_width_deltas > 0)
    # exactly one bin matches per row; np.where(...)[1] == argmax over columns
    idx = jnp.argmax(mask, axis=1)
    scores_bins = bins[idx]
    # scores - (scores.detach() - scores_bins.detach())
    out = scores - jax.lax.stop_gradient(scores - scores_bins)
    return out

if __name__ == "__main__":
    import jax
    _d = setup_inputs()
    print(jax.jit(kernel)(*tuple(_d.values())))

</pallas_src>

<mosaic_0001>
#map = affine_map<(d0, d1) -> (0)>
module attributes {stable_mosaic.version = 14 : i64} {
  func.func @_body(%arg0: i32, %arg1: i32, %arg2: memref<1048576xf32, #tpu.memory_space<hbm>>, %arg3: memref<80xf32, #tpu.memory_space<hbm>>, %arg4: memref<80xf32, #tpu.memory_space<hbm>>, %arg5: memref<1048576xf32, #tpu.memory_space<hbm>>, %arg6: memref<34816xf32, #tpu.memory_space<vmem>>, %arg7: memref<34816xf32, #tpu.memory_space<vmem>>, %arg8: memref<80xf32, #tpu.memory_space<vmem>>, %arg9: memref<80xf32, #tpu.memory_space<vmem>>, %arg10: memref<3x!tpu.dma_semaphore, #tpu.memory_space<semaphore_mem>>, %arg11: memref<3x!tpu.dma_semaphore, #tpu.memory_space<semaphore_mem>>) attributes {dimension_semantics = [#tpu.dimension_semantics<core_parallel>, #tpu.dimension_semantics<subcore_parallel>], iteration_bounds = array<i64: 2, 16>, scalar_prefetch = 0 : i64, scratch_operands = 6 : i64, tpu.core_type = #tpu.core_type<sc_vector_subcore>, window_params = [{transform_indices = #map}, {transform_indices = #map}, {transform_indices = #map}, {transform_indices = #map}]} {
    %mul3A = arith.constant 2 : i32
    %mul3A_0 = arith.muli %arg1, %mul3A : i32
    %add3A = arith.addi %mul3A_0, %arg0 : i32
    %mul3A_1 = arith.constant 30720 : i32
    %mul3A_2 = arith.muli %add3A, %mul3A_1 : i32
    %mul3A_3 = arith.constant 4096 : i32
    %mul3A_4 = arith.muli %arg1, %mul3A_3 : i32
    %add3A_5 = arith.constant 983040 : i32
    %add3A_6 = arith.addi %add3A_5, %mul3A_4 : i32
    %add3A_7 = arith.constant 0 : i32
    %add3A_8 = arith.addi %mul3A_2, %add3A_7 : i32
    %dma_start3A = arith.constant 0 : i32
    %dma_start3A_9 = arith.constant 0 : i32
    %dma_start3A_10 = tpu.memref_slice %arg6[%dma_start3A_9] : memref<34816xf32, #tpu.memory_space<vmem>> -> memref<15360xf32, #tpu.memory_space<vmem>>
    %dma_start3A_11 = tpu.memref_slice %arg2[%add3A_8] : memref<1048576xf32, #tpu.memory_space<hbm>> -> memref<15360xf32, #tpu.memory_space<hbm>>
    %dma_start3A_12 = tpu.memref_slice %arg10[%dma_start3A] : memref<3x!tpu.dma_semaphore, #tpu.memory_space<semaphore_mem>> -> memref<1x!tpu.dma_semaphore, #tpu.memory_space<semaphore_mem>>
    %dma_start3A_13 = tpu.memref_squeeze %dma_start3A_12 : memref<1x!tpu.dma_semaphore, #tpu.memory_space<semaphore_mem>> -> memref<!tpu.dma_semaphore, #tpu.memory_space<semaphore_mem>>
    %dma_start3A_14 = arith.constant 0 : i32
    %dma_start3A_15 = tpu.memref_slice %arg6[%dma_start3A_14] : memref<34816xf32, #tpu.memory_space<vmem>> -> memref<15360xf32, #tpu.memory_space<vmem>>
    %dma_start3A_16 = tpu.memref_slice %arg2[%add3A_8] : memref<1048576xf32, #tpu.memory_space<hbm>> -> memref<15360xf32, #tpu.memory_space<hbm>>
    tpu.enqueue_dma source(%dma_start3A_16 : memref<15360xf32, #tpu.memory_space<hbm>>) target(%dma_start3A_15 : memref<15360xf32, #tpu.memory_space<vmem>>) target_semaphore(%dma_start3A_13 : memref<!tpu.dma_semaphore, #tpu.memory_space<semaphore_mem>>)
    %add3A_17 = arith.constant 15360 : i32
    %add3A_18 = arith.addi %mul3A_2, %add3A_17 : i32
    %dma_start3A_19 = arith.constant 1 : i32
    %dma_start3A_20 = arith.constant 15360 : i32
    %dma_start3A_21 = tpu.memref_slice %arg6[%dma_start3A_20] : memref<34816xf32, #tpu.memory_space<vmem>> -> memref<15360xf32, #tpu.memory_space<vmem>>
    %dma_start3A_22 = tpu.memref_slice %arg2[%add3A_18] : memref<1048576xf32, #tpu.memory_space<hbm>> -> memref<15360xf32, #tpu.memory_space<hbm>>
    %dma_start3A_23 = tpu.memref_slice %arg10[%dma_start3A_19] : memref<3x!tpu.dma_semaphore, #tpu.memory_space<semaphore_mem>> -> memref<1x!tpu.dma_semaphore, #tpu.memory_space<semaphore_mem>>
    %dma_start3A_24 = tpu.memref_squeeze %dma_start3A_23 : memref<1x!tpu.dma_semaphore, #tpu.memory_space<semaphore_mem>> -> memref<!tpu.dma_semaphore, #tpu.memory_space<semaphore_mem>>
    %dma_start3A_25 = arith.constant 15360 : i32
    %dma_start3A_26 = tpu.memref_slice %arg6[%dma_start3A_25] : memref<34816xf32, #tpu.memory_space<vmem>> -> memref<15360xf32, #tpu.memory_space<vmem>>
    %dma_start3A_27 = tpu.memref_slice %arg2[%add3A_18] : memref<1048576xf32, #tpu.memory_space<hbm>> -> memref<15360xf32, #tpu.memory_space<hbm>>
    tpu.enqueue_dma source(%dma_start3A_27 : memref<15360xf32, #tpu.memory_space<hbm>>) target(%dma_start3A_26 : memref<15360xf32, #tpu.memory_space<vmem>>) target_semaphore(%dma_start3A_24 : memref<!tpu.dma_semaphore, #tpu.memory_space<semaphore_mem>>)
    %eq3A = arith.constant 1 : i32
    %eq3A_28 = arith.cmpi eq, %arg0, %eq3A : i32
    %convert_element_type3A = arith.extui %eq3A_28 : i1 to i32
    %cond3A = arith.constant 0 : i32
    %cond3A_29 = arith.cmpi ne, %convert_element_type3A, %cond3A : i32
    scf.if %cond3A_29 {
      %dma_start3A_106 = arith.constant 2 : i32
      %dma_start3A_107 = arith.constant 30720 : i32
      %dma_start3A_108 = tpu.memref_slice %arg6[%dma_start3A_107] : memref<34816xf32, #tpu.memory_space<vmem>> -> memref<4096xf32, #tpu.memory_space<vmem>>
      %dma_start3A_109 = tpu.memref_slice %arg2[%add3A_6] : memref<1048576xf32, #tpu.memory_space<hbm>> -> memref<4096xf32, #tpu.memory_space<hbm>>
      %dma_start3A_110 = tpu.memref_slice %arg10[%dma_start3A_106] : memref<3x!tpu.dma_semaphore, #tpu.memory_space<semaphore_mem>> -> memref<1x!tpu.dma_semaphore, #tpu.memory_space<semaphore_mem>>
      %dma_start3A_111 = tpu.memref_squeeze %dma_start3A_110 : memref<1x!tpu.dma_semaphore, #tpu.memory_space<semaphore_mem>> -> memref<!tpu.dma_semaphore, #tpu.memory_space<semaphore_mem>>
      %dma_start3A_112 = arith.constant 30720 : i32
      %dma_start3A_113 = tpu.memref_slice %arg6[%dma_start3A_112] : memref<34816xf32, #tpu.memory_space<vmem>> -> memref<4096xf32, #tpu.memory_space<vmem>>
      %dma_start3A_114 = tpu.memref_slice %arg2[%add3A_6] : memref<1048576xf32, #tpu.memory_space<hbm>> -> memref<4096xf32, #tpu.memory_space<hbm>>
      tpu.enqueue_dma source(%dma_start3A_114 : memref<4096xf32, #tpu.memory_space<hbm>>) target(%dma_start3A_113 : memref<4096xf32, #tpu.memory_space<vmem>>) target_semaphore(%dma_start3A_111 : memref<!tpu.dma_semaphore, #tpu.memory_space<semaphore_mem>>)
    } else {
    }
    "tpu.region"() ({
      %run_scoped3A = tpu.sem_alloc : memref<!tpu.dma_semaphore, #tpu.memory_space<semaphore_mem>>
      tpu.enqueue_dma source(%arg3 : memref<80xf32, #tpu.memory_space<hbm>>) target(%arg8 : memref<80xf32, #tpu.memory_space<vmem>>) target_semaphore(%run_scoped3A : memref<!tpu.dma_semaphore, #tpu.memory_space<semaphore_mem>>)
      tpu.wait_dma2 semaphore(%run_scoped3A : memref<!tpu.dma_semaphore, #tpu.memory_space<semaphore_mem>>) src(%arg3 : memref<80xf32, #tpu.memory_space<hbm>>) dst(%arg8 : memref<80xf32, #tpu.memory_space<vmem>>)
      tpu.yield
    }) : () -> ()
    "tpu.region"() ({
      %run_scoped3A = tpu.sem_alloc : memref<!tpu.dma_semaphore, #tpu.memory_space<semaphore_mem>>
      tpu.enqueue_dma source(%arg4 : memref<80xf32, #tpu.memory_space<hbm>>) target(%arg9 : memref<80xf32, #tpu.memory_space<vmem>>) target_semaphore(%run_scoped3A : memref<!tpu.dma_semaphore, #tpu.memory_space<semaphore_mem>>)
      tpu.wait_dma2 semaphore(%run_scoped3A : memref<!tpu.dma_semaphore, #tpu.memory_space<semaphore_mem>>) src(%arg4 : memref<80xf32, #tpu.memory_space<hbm>>) dst(%arg9 : memref<80xf32, #tpu.memory_space<vmem>>)
      tpu.yield
    }) : () -> ()
    %dma_wait3A = arith.constant 0 : i32
    %dma_wait3A_30 = arith.constant 0 : i32
    %dma_wait3A_31 = tpu.memref_slice %arg6[%dma_wait3A_30] : memref<34816xf32, #tpu.memory_space<vmem>> -> memref<15360xf32, #tpu.memory_space<vmem>>
    %dma_wait3A_32 = tpu.memref_slice %arg2[%add3A_8] : memref<1048576xf32, #tpu.memory_space<hbm>> -> memref<15360xf32, #tpu.memory_space<hbm>>
    %dma_wait3A_33 = tpu.memref_slice %arg10[%dma_wait3A] : memref<3x!tpu.dma_semaphore, #tpu.memory_space<semaphore_mem>> -> memref<1x!tpu.dma_semaphore, #tpu.memory_space<semaphore_mem>>
    %dma_wait3A_34 = tpu.memref_squeeze %dma_wait3A_33 : memref<1x!tpu.dma_semaphore, #tpu.memory_space<semaphore_mem>> -> memref<!tpu.dma_semaphore, #tpu.memory_space<semaphore_mem>>
    %dma_wait3A_35 = arith.constant 0 : i32
    %dma_wait3A_36 = tpu.memref_slice %arg6[%dma_wait3A_35] : memref<34816xf32, #tpu.memory_space<vmem>> -> memref<15360xf32, #tpu.memory_space<vmem>>
    %dma_wait3A_37 = tpu.memref_slice %arg2[%add3A_8] : memref<1048576xf32, #tpu.memory_space<hbm>> -> memref<15360xf32, #tpu.memory_space<hbm>>
    tpu.wait_dma2 semaphore(%dma_wait3A_34 : memref<!tpu.dma_semaphore, #tpu.memory_space<semaphore_mem>>) src(%dma_wait3A_37 : memref<15360xf32, #tpu.memory_space<hbm>>) dst(%dma_wait3A_36 : memref<15360xf32, #tpu.memory_space<vmem>>)
    %parallel_loop3A = arith.constant 0 : i32
    %parallel_loop3A_38 = arith.constant 15360 : i32
    %parallel_loop3A_39 = arith.constant 16 : i32
    scf.for %parallel_loop3A_106 = %parallel_loop3A to %parallel_loop3A_38 step %parallel_loop3A_39  : i32 {
      %parallel_loop3A_107 = arith.index_cast %parallel_loop3A_106 : i32 to index
      %parallel_loop3A_108 = tpu.vector_load %arg6[%parallel_loop3A_107] {strides = array<i32>} : memref<34816xf32, #tpu.memory_space<vmem>>, vector<16xf32>,
      %parallel_loop3A_109 = tpu.bitcast %parallel_loop3A_108 : vector<16xf32> -> vector<16xi32>
      %parallel_loop3A_110 = arith.constant 1.000000e+00 : f32
      %parallel_loop3A_111 = vector.broadcast %parallel_loop3A_110 : f32 to vector<16xf32>
      %parallel_loop3A_112 = arith.subf %parallel_loop3A_111, %parallel_loop3A_108 : vector<16xf32>
      %parallel_loop3A_113 = tpu.bitcast %parallel_loop3A_112 : vector<16xf32> -> vector<16xi32>
      %parallel_loop3A_114 = arith.subi %parallel_loop3A_109, %parallel_loop3A_113 : vector<16xi32>
      %parallel_loop3A_115 = arith.sitofp %parallel_loop3A_114 : vector<16xi32> to vector<16xf32>
      %parallel_loop3A_116 = arith.constant 3.30518333E-7 : f32
      %parallel_loop3A_117 = vector.broadcast %parallel_loop3A_116 : f32 to vector<16xf32>
      %parallel_loop3A_118 = arith.mulf %parallel_loop3A_115, %parallel_loop3A_117 : vector<16xf32>
      %parallel_loop3A_119 = arith.constant 3.725000e+01 : f32
      %parallel_loop3A_120 = vector.broadcast %parallel_loop3A_119 : f32 to vector<16xf32>
      %parallel_loop3A_121 = arith.addf %parallel_loop3A_118, %parallel_loop3A_120 : vector<16xf32>
      %parallel_loop3A_122 = arith.fptosi %parallel_loop3A_121 : vector<16xf32> to vector<16xi32>
      %parallel_loop3A_123 = tpu.vector_load_idx %arg8[%parallel_loop3A_122] : memref<80xf32, #tpu.memory_space<vmem>>[vector<16xi32>], vector<16xf32>,
      %parallel_loop3A_124 = arith.cmpf olt, %parallel_loop3A_108, %parallel_loop3A_123 : vector<16xf32>
      %parallel_loop3A_125 = arith.extui %parallel_loop3A_124 : vector<16xi1> to vector<16xi32>
      %parallel_loop3A_126 = arith.subi %parallel_loop3A_122, %parallel_loop3A_125 : vector<16xi32>
      %parallel_loop3A_127 = tpu.vector_load_idx %arg9[%parallel_loop3A_126] : memref<80xf32, #tpu.memory_space<vmem>>[vector<16xi32>], vector<16xf32>,
      %parallel_loop3A_128 = arith.index_cast %parallel_loop3A_106 : i32 to index
      %parallel_loop3A_129 = tpu.vector_load %arg7[%parallel_loop3A_128] {strides = array<i32>} : memref<34816xf32, #tpu.memory_space<vmem>>, vector<16xf32>,
      tpu.vector_store %arg7[%parallel_loop3A_128], %parallel_loop3A_127 {strides = array<i32>} : memref<34816xf32, #tpu.memory_space<vmem>>, vector<16xf32>,
    } {sc.loop_unroll_factor = 8 : i64, sc.parallel_access}
    %add3A_40 = arith.constant 0 : i32
    %add3A_41 = arith.addi %mul3A_2, %add3A_40 : i32
    %dma_start3A_42 = arith.constant 0 : i32
    %dma_start3A_43 = arith.constant 0 : i32
    %dma_start3A_44 = tpu.memref_slice %arg7[%dma_start3A_43] : memref<34816xf32, #tpu.memory_space<vmem>> -> memref<15360xf32, #tpu.memory_space<vmem>>
    %dma_start3A_45 = tpu.memref_slice %arg5[%add3A_41] : memref<1048576xf32, #tpu.memory_space<hbm>> -> memref<15360xf32, #tpu.memory_space<hbm>>
    %dma_start3A_46 = tpu.memref_slice %arg11[%dma_start3A_42] : memref<3x!tpu.dma_semaphore, #tpu.memory_space<semaphore_mem>> -> memref<1x!tpu.dma_semaphore, #tpu.memory_space<semaphore_mem>>
    %dma_start3A_47 = tpu.memref_squeeze %dma_start3A_46 : memref<1x!tpu.dma_semaphore, #tpu.memory_space<semaphore_mem>> -> memref<!tpu.dma_semaphore, #tpu.memory_space<semaphore_mem>>
    %dma_start3A_48 = tpu.memref_slice %arg5[%add3A_41] : memref<1048576xf32, #tpu.memory_space<hbm>> -> memref<15360xf32, #tpu.memory_space<hbm>>
    %dma_start3A_49 = arith.constant 0 : i32
    %dma_start3A_50 = tpu.memref_slice %arg7[%dma_start3A_49] : memref<34816xf32, #tpu.memory_space<vmem>> -> memref<15360xf32, #tpu.memory_space<vmem>>
    tpu.enqueue_dma source(%dma_start3A_50 : memref<15360xf32, #tpu.memory_space<vmem>>) target(%dma_start3A_48 : memref<15360xf32, #tpu.memory_space<hbm>>) target_semaphore(%dma_start3A_47 : memref<!tpu.dma_semaphore, #tpu.memory_space<semaphore_mem>>)
    %dma_wait3A_51 = arith.constant 1 : i32
    %dma_wait3A_52 = arith.constant 15360 : i32
    %dma_wait3A_53 = tpu.memref_slice %arg6[%dma_wait3A_52] : memref<34816xf32, #tpu.memory_space<vmem>> -> memref<15360xf32, #tpu.memory_space<vmem>>
    %dma_wait3A_54 = tpu.memref_slice %arg2[%add3A_18] : memref<1048576xf32, #tpu.memory_space<hbm>> -> memref<15360xf32, #tpu.memory_space<hbm>>
    %dma_wait3A_55 = tpu.memref_slice %arg10[%dma_wait3A_51] : memref<3x!tpu.dma_semaphore, #tpu.memory_space<semaphore_mem>> -> memref<1x!tpu.dma_semaphore, #tpu.memory_space<semaphore_mem>>
    %dma_wait3A_56 = tpu.memref_squeeze %dma_wait3A_55 : memref<1x!tpu.dma_semaphore, #tpu.memory_space<semaphore_mem>> -> memref<!tpu.dma_semaphore, #tpu.memory_space<semaphore_mem>>
    %dma_wait3A_57 = arith.constant 15360 : i32
    %dma_wait3A_58 = tpu.memref_slice %arg6[%dma_wait3A_57] : memref<34816xf32, #tpu.memory_space<vmem>> -> memref<15360xf32, #tpu.memory_space<vmem>>
    %dma_wait3A_59 = tpu.memref_slice %arg2[%add3A_18] : memref<1048576xf32, #tpu.memory_space<hbm>> -> memref<15360xf32, #tpu.memory_space<hbm>>
    tpu.wait_dma2 semaphore(%dma_wait3A_56 : memref<!tpu.dma_semaphore, #tpu.memory_space<semaphore_mem>>) src(%dma_wait3A_59 : memref<15360xf32, #tpu.memory_space<hbm>>) dst(%dma_wait3A_58 : memref<15360xf32, #tpu.memory_space<vmem>>)
    %parallel_loop3A_60 = arith.constant 15360 : i32
    %parallel_loop3A_61 = arith.constant 30720 : i32
    %parallel_loop3A_62 = arith.constant 16 : i32
    scf.for %parallel_loop3A_106 = %parallel_loop3A_60 to %parallel_loop3A_61 step %parallel_loop3A_62  : i32 {
      %parallel_loop3A_107 = arith.index_cast %parallel_loop3A_106 : i32 to index
      %parallel_loop3A_108 = tpu.vector_load %arg6[%parallel_loop3A_107] {strides = array<i32>} : memref<34816xf32, #tpu.memory_space<vmem>>, vector<16xf32>,
      %parallel_loop3A_109 = tpu.bitcast %parallel_loop3A_108 : vector<16xf32> -> vector<16xi32>
      %parallel_loop3A_110 = arith.constant 1.000000e+00 : f32
      %parallel_loop3A_111 = vector.broadcast %parallel_loop3A_110 : f32 to vector<16xf32>
      %parallel_loop3A_112 = arith.subf %parallel_loop3A_111, %parallel_loop3A_108 : vector<16xf32>
      %parallel_loop3A_113 = tpu.bitcast %parallel_loop3A_112 : vector<16xf32> -> vector<16xi32>
      %parallel_loop3A_114 = arith.subi %parallel_loop3A_109, %parallel_loop3A_113 : vector<16xi32>
      %parallel_loop3A_115 = arith.sitofp %parallel_loop3A_114 : vector<16xi32> to vector<16xf32>
      %parallel_loop3A_116 = arith.constant 3.30518333E-7 : f32
      %parallel_loop3A_117 = vector.broadcast %parallel_loop3A_116 : f32 to vector<16xf32>
      %parallel_loop3A_118 = arith.mulf %parallel_loop3A_115, %parallel_loop3A_117 : vector<16xf32>
      %parallel_loop3A_119 = arith.constant 3.725000e+01 : f32
      %parallel_loop3A_120 = vector.broadcast %parallel_loop3A_119 : f32 to vector<16xf32>
      %parallel_loop3A_121 = arith.addf %parallel_loop3A_118, %parallel_loop3A_120 : vector<16xf32>
      %parallel_loop3A_122 = arith.fptosi %parallel_loop3A_121 : vector<16xf32> to vector<16xi32>
      %parallel_loop3A_123 = tpu.vector_load_idx %arg8[%parallel_loop3A_122] : memref<80xf32, #tpu.memory_space<vmem>>[vector<16xi32>], vector<16xf32>,
      %parallel_loop3A_124 = arith.cmpf olt, %parallel_loop3A_108, %parallel_loop3A_123 : vector<16xf32>
      %parallel_loop3A_125 = arith.extui %parallel_loop3A_124 : vector<16xi1> to vector<16xi32>
      %parallel_loop3A_126 = arith.subi %parallel_loop3A_122, %parallel_loop3A_125 : vector<16xi32>
      %parallel_loop3A_127 = tpu.vector_load_idx %arg9[%parallel_loop3A_126] : memref<80xf32, #tpu.memory_space<vmem>>[vector<16xi32>], vector<16xf32>,
      %parallel_loop3A_128 = arith.index_cast %parallel_loop3A_106 : i32 to index
      %parallel_loop3A_129 = tpu.vector_load %arg7[%parallel_loop3A_128] {strides = array<i32>} : memref<34816xf32, #tpu.memory_space<vmem>>, vector<16xf32>,
      tpu.vector_store %arg7[%parallel_loop3A_128], %parallel_loop3A_127 {strides = array<i32>} : memref<34816xf32, #tpu.memory_space<vmem>>, vector<16xf32>,
    } {sc.loop_unroll_factor = 8 : i64, sc.parallel_access}
    %add3A_63 = arith.constant 15360 : i32
    %add3A_64 = arith.addi %mul3A_2, %add3A_63 : i32
    %dma_start3A_65 = arith.constant 1 : i32
    %dma_start3A_66 = arith.constant 15360 : i32
    %dma_start3A_67 = tpu.memref_slice %arg7[%dma_start3A_66] : memref<34816xf32, #tpu.memory_space<vmem>> -> memref<15360xf32, #tpu.memory_space<vmem>>
    %dma_start3A_68 = tpu.memref_slice %arg5[%add3A_64] : memref<1048576xf32, #tpu.memory_space<hbm>> -> memref<15360xf32, #tpu.memory_space<hbm>>
    %dma_start3A_69 = tpu.memref_slice %arg11[%dma_start3A_65] : memref<3x!tpu.dma_semaphore, #tpu.memory_space<semaphore_mem>> -> memref<1x!tpu.dma_semaphore, #tpu.memory_space<semaphore_mem>>
    %dma_start3A_70 = tpu.memref_squeeze %dma_start3A_69 : memref<1x!tpu.dma_semaphore, #tpu.memory_space<semaphore_mem>> -> memref<!tpu.dma_semaphore, #tpu.memory_space<semaphore_mem>>
    %dma_start3A_71 = tpu.memref_slice %arg5[%add3A_64] : memref<1048576xf32, #tpu.memory_space<hbm>> -> memref<15360xf32, #tpu.memory_space<hbm>>
    %dma_start3A_72 = arith.constant 15360 : i32
    %dma_start3A_73 = tpu.memref_slice %arg7[%dma_start3A_72] : memref<34816xf32, #tpu.memory_space<vmem>> -> memref<15360xf32, #tpu.memory_space<vmem>>
    tpu.enqueue_dma source(%dma_start3A_73 : memref<15360xf32, #tpu.memory_space<vmem>>) target(%dma_start3A_71 : memref<15360xf32, #tpu.memory_space<hbm>>) target_semaphore(%dma_start3A_70 : memref<!tpu.dma_semaphore, #tpu.memory_space<semaphore_mem>>)
    %eq3A_74 = arith.constant 1 : i32
    %eq3A_75 = arith.cmpi eq, %arg0, %eq3A_74 : i32
    %convert_element_type3A_76 = arith.extui %eq3A_75 : i1 to i32
    %cond3A_77 = arith.constant 0 : i32
    %cond3A_78 = arith.cmpi ne, %convert_element_type3A_76, %cond3A_77 : i32
    scf.if %cond3A_78 {
      %dma_wait3A_106 = arith.constant 2 : i32
      %dma_wait3A_107 = arith.constant 30720 : i32
      %dma_wait3A_108 = tpu.memref_slice %arg6[%dma_wait3A_107] : memref<34816xf32, #tpu.memory_space<vmem>> -> memref<4096xf32, #tpu.memory_space<vmem>>
      %dma_wait3A_109 = tpu.memref_slice %arg2[%add3A_6] : memref<1048576xf32, #tpu.memory_space<hbm>> -> memref<4096xf32, #tpu.memory_space<hbm>>
      %dma_wait3A_110 = tpu.memref_slice %arg10[%dma_wait3A_106] : memref<3x!tpu.dma_semaphore, #tpu.memory_space<semaphore_mem>> -> memref<1x!tpu.dma_semaphore, #tpu.memory_space<semaphore_mem>>
      %dma_wait3A_111 = tpu.memref_squeeze %dma_wait3A_110 : memref<1x!tpu.dma_semaphore, #tpu.memory_space<semaphore_mem>> -> memref<!tpu.dma_semaphore, #tpu.memory_space<semaphore_mem>>
      %dma_wait3A_112 = arith.constant 30720 : i32
      %dma_wait3A_113 = tpu.memref_slice %arg6[%dma_wait3A_112] : memref<34816xf32, #tpu.memory_space<vmem>> -> memref<4096xf32, #tpu.memory_space<vmem>>
      %dma_wait3A_114 = tpu.memref_slice %arg2[%add3A_6] : memref<1048576xf32, #tpu.memory_space<hbm>> -> memref<4096xf32, #tpu.memory_space<hbm>>
      tpu.wait_dma2 semaphore(%dma_wait3A_111 : memref<!tpu.dma_semaphore, #tpu.memory_space<semaphore_mem>>) src(%dma_wait3A_114 : memref<4096xf32, #tpu.memory_space<hbm>>) dst(%dma_wait3A_113 : memref<4096xf32, #tpu.memory_space<vmem>>)
      %parallel_loop3A_115 = arith.constant 30720 : i32
      %parallel_loop3A_116 = arith.constant 34816 : i32
      %parallel_loop3A_117 = arith.constant 16 : i32
      scf.for %parallel_loop3A_127 = %parallel_loop3A_115 to %parallel_loop3A_116 step %parallel_loop3A_117  : i32 {
        %parallel_loop3A_128 = arith.index_cast %parallel_loop3A_127 : i32 to index
        %parallel_loop3A_129 = tpu.vector_load %arg6[%parallel_loop3A_128] {strides = array<i32>} : memref<34816xf32, #tpu.memory_space<vmem>>, vector<16xf32>,
        %parallel_loop3A_130 = tpu.bitcast %parallel_loop3A_129 : vector<16xf32> -> vector<16xi32>
        %parallel_loop3A_131 = arith.constant 1.000000e+00 : f32
        %parallel_loop3A_132 = vector.broadcast %parallel_loop3A_131 : f32 to vector<16xf32>
        %parallel_loop3A_133 = arith.subf %parallel_loop3A_132, %parallel_loop3A_129 : vector<16xf32>
        %parallel_loop3A_134 = tpu.bitcast %parallel_loop3A_133 : vector<16xf32> -> vector<16xi32>
        %parallel_loop3A_135 = arith.subi %parallel_loop3A_130, %parallel_loop3A_134 : vector<16xi32>
        %parallel_loop3A_136 = arith.sitofp %parallel_loop3A_135 : vector<16xi32> to vector<16xf32>
        %parallel_loop3A_137 = arith.constant 3.30518333E-7 : f32
        %parallel_loop3A_138 = vector.broadcast %parallel_loop3A_137 : f32 to vector<16xf32>
        %parallel_loop3A_139 = arith.mulf %parallel_loop3A_136, %parallel_loop3A_138 : vector<16xf32>
        %parallel_loop3A_140 = arith.constant 3.725000e+01 : f32
        %parallel_loop3A_141 = vector.broadcast %parallel_loop3A_140 : f32 to vector<16xf32>
        %parallel_loop3A_142 = arith.addf %parallel_loop3A_139, %parallel_loop3A_141 : vector<16xf32>
        %parallel_loop3A_143 = arith.fptosi %parallel_loop3A_142 : vector<16xf32> to vector<16xi32>
        %parallel_loop3A_144 = tpu.vector_load_idx %arg8[%parallel_loop3A_143] : memref<80xf32, #tpu.memory_space<vmem>>[vector<16xi32>], vector<16xf32>,
        %parallel_loop3A_145 = arith.cmpf olt, %parallel_loop3A_129, %parallel_loop3A_144 : vector<16xf32>
        %parallel_loop3A_146 = arith.extui %parallel_loop3A_145 : vector<16xi1> to vector<16xi32>
        %parallel_loop3A_147 = arith.subi %parallel_loop3A_143, %parallel_loop3A_146 : vector<16xi32>
        %parallel_loop3A_148 = tpu.vector_load_idx %arg9[%parallel_loop3A_147] : memref<80xf32, #tpu.memory_space<vmem>>[vector<16xi32>], vector<16xf32>,
        %parallel_loop3A_149 = arith.index_cast %parallel_loop3A_127 : i32 to index
        %parallel_loop3A_150 = tpu.vector_load %arg7[%parallel_loop3A_149] {strides = array<i32>} : memref<34816xf32, #tpu.memory_space<vmem>>, vector<16xf32>,
        tpu.vector_store %arg7[%parallel_loop3A_149], %parallel_loop3A_148 {strides = array<i32>} : memref<34816xf32, #tpu.memory_space<vmem>>, vector<16xf32>,
      } {sc.loop_unroll_factor = 8 : i64, sc.parallel_access}
      %dma_start3A_118 = arith.constant 2 : i32
      %dma_start3A_119 = arith.constant 30720 : i32
      %dma_start3A_120 = tpu.memref_slice %arg7[%dma_start3A_119] : memref<34816xf32, #tpu.memory_space<vmem>> -> memref<4096xf32, #tpu.memory_space<vmem>>
      %dma_start3A_121 = tpu.memref_slice %arg5[%add3A_6] : memref<1048576xf32, #tpu.memory_space<hbm>> -> memref<4096xf32, #tpu.memory_space<hbm>>
      %dma_start3A_122 = tpu.memref_slice %arg11[%dma_start3A_118] : memref<3x!tpu.dma_semaphore, #tpu.memory_space<semaphore_mem>> -> memref<1x!tpu.dma_semaphore, #tpu.memory_space<semaphore_mem>>
      %dma_start3A_123 = tpu.memref_squeeze %dma_start3A_122 : memref<1x!tpu.dma_semaphore, #tpu.memory_space<semaphore_mem>> -> memref<!tpu.dma_semaphore, #tpu.memory_space<semaphore_mem>>
      %dma_start3A_124 = tpu.memref_slice %arg5[%add3A_6] : memref<1048576xf32, #tpu.memory_space<hbm>> -> memref<4096xf32, #tpu.memory_space<hbm>>
      %dma_start3A_125 = arith.constant 30720 : i32
      %dma_start3A_126 = tpu.memref_slice %arg7[%dma_start3A_125] : memref<34816xf32, #tpu.memory_space<vmem>> -> memref<4096xf32, #tpu.memory_space<vmem>>
      tpu.enqueue_dma source(%dma_start3A_126 : memref<4096xf32, #tpu.memory_space<vmem>>) target(%dma_start3A_124 : memref<4096xf32, #tpu.memory_space<hbm>>) target_semaphore(%dma_start3A_123 : memref<!tpu.dma_semaphore, #tpu.memory_space<semaphore_mem>>)
    } else {
    }
    %add3A_79 = arith.constant 0 : i32
    %add3A_80 = arith.addi %mul3A_2, %add3A_79 : i32
    %dma_wait3A_81 = arith.constant 0 : i32
    %dma_wait3A_82 = arith.constant 0 : i32
    %dma_wait3A_83 = tpu.memref_slice %arg7[%dma_wait3A_82] : memref<34816xf32, #tpu.memory_space<vmem>> -> memref<15360xf32, #tpu.memory_space<vmem>>
    %dma_wait3A_84 = tpu.memref_slice %arg5[%add3A_80] : memref<1048576xf32, #tpu.memory_space<hbm>> -> memref<15360xf32, #tpu.memory_space<hbm>>
    %dma_wait3A_85 = tpu.memref_slice %arg11[%dma_wait3A_81] : memref<3x!tpu.dma_semaphore, #tpu.memory_space<semaphore_mem>> -> memref<1x!tpu.dma_semaphore, #tpu.memory_space<semaphore_mem>>
    %dma_wait3A_86 = tpu.memref_squeeze %dma_wait3A_85 : memref<1x!tpu.dma_semaphore, #tpu.memory_space<semaphore_mem>> -> memref<!tpu.dma_semaphore, #tpu.memory_space<semaphore_mem>>
    %dma_wait3A_87 = tpu.memref_slice %arg5[%add3A_80] : memref<1048576xf32, #tpu.memory_space<hbm>> -> memref<15360xf32, #tpu.memory_space<hbm>>
    %dma_wait3A_88 = arith.constant 0 : i32
    %dma_wait3A_89 = tpu.memref_slice %arg7[%dma_wait3A_88] : memref<34816xf32, #tpu.memory_space<vmem>> -> memref<15360xf32, #tpu.memory_space<vmem>>
    tpu.wait_dma2 semaphore(%dma_wait3A_86 : memref<!tpu.dma_semaphore, #tpu.memory_space<semaphore_mem>>) src(%dma_wait3A_89 : memref<15360xf32, #tpu.memory_space<vmem>>) dst(%dma_wait3A_87 : memref<15360xf32, #tpu.memory_space<hbm>>)
    %add3A_90 = arith.constant 15360 : i32
    %add3A_91 = arith.addi %mul3A_2, %add3A_90 : i32
    %dma_wait3A_92 = arith.constant 1 : i32
    %dma_wait3A_93 = arith.constant 15360 : i32
    %dma_wait3A_94 = tpu.memref_slice %arg7[%dma_wait3A_93] : memref<34816xf32, #tpu.memory_space<vmem>> -> memref<15360xf32, #tpu.memory_space<vmem>>
    %dma_wait3A_95 = tpu.memref_slice %arg5[%add3A_91] : memref<1048576xf32, #tpu.memory_space<hbm>> -> memref<15360xf32, #tpu.memory_space<hbm>>
    %dma_wait3A_96 = tpu.memref_slice %arg11[%dma_wait3A_92] : memref<3x!tpu.dma_semaphore, #tpu.memory_space<semaphore_mem>> -> memref<1x!tpu.dma_semaphore, #tpu.memory_space<semaphore_mem>>
    %dma_wait3A_97 = tpu.memref_squeeze %dma_wait3A_96 : memref<1x!tpu.dma_semaphore, #tpu.memory_space<semaphore_mem>> -> memref<!tpu.dma_semaphore, #tpu.memory_space<semaphore_mem>>
    %dma_wait3A_98 = tpu.memref_slice %arg5[%add3A_91] : memref<1048576xf32, #tpu.memory_space<hbm>> -> memref<15360xf32, #tpu.memory_space<hbm>>
    %dma_wait3A_99 = arith.constant 15360 : i32
    %dma_wait3A_100 = tpu.memref_slice %arg7[%dma_wait3A_99] : memref<34816xf32, #tpu.memory_space<vmem>> -> memref<15360xf32, #tpu.memory_space<vmem>>
    tpu.wait_dma2 semaphore(%dma_wait3A_97 : memref<!tpu.dma_semaphore, #tpu.memory_space<semaphore_mem>>) src(%dma_wait3A_100 : memref<15360xf32, #tpu.memory_space<vmem>>) dst(%dma_wait3A_98 : memref<15360xf32, #tpu.memory_space<hbm>>)
    %eq3A_101 = arith.constant 1 : i32
    %eq3A_102 = arith.cmpi eq, %arg0, %eq3A_101 : i32
    %convert_element_type3A_103 = arith.extui %eq3A_102 : i1 to i32
    %cond3A_104 = arith.constant 0 : i32
    %cond3A_105 = arith.cmpi ne, %convert_element_type3A_103, %cond3A_104 : i32
    scf.if %cond3A_105 {
      %dma_wait3A_106 = arith.constant 2 : i32
      %dma_wait3A_107 = arith.constant 30720 : i32
      %dma_wait3A_108 = tpu.memref_slice %arg7[%dma_wait3A_107] : memref<34816xf32, #tpu.memory_space<vmem>> -> memref<4096xf32, #tpu.memory_space<vmem>>
      %dma_wait3A_109 = tpu.memref_slice %arg5[%add3A_6] : memref<1048576xf32, #tpu.memory_space<hbm>> -> memref<4096xf32, #tpu.memory_space<hbm>>
      %dma_wait3A_110 = tpu.memref_slice %arg11[%dma_wait3A_106] : memref<3x!tpu.dma_semaphore, #tpu.memory_space<semaphore_mem>> -> memref<1x!tpu.dma_semaphore, #tpu.memory_space<semaphore_mem>>
      %dma_wait3A_111 = tpu.memref_squeeze %dma_wait3A_110 : memref<1x!tpu.dma_semaphore, #tpu.memory_space<semaphore_mem>> -> memref<!tpu.dma_semaphore, #tpu.memory_space<semaphore_mem>>
      %dma_wait3A_112 = tpu.memref_slice %arg5[%add3A_6] : memref<1048576xf32, #tpu.memory_space<hbm>> -> memref<4096xf32, #tpu.memory_space<hbm>>
      %dma_wait3A_113 = arith.constant 30720 : i32
      %dma_wait3A_114 = tpu.memref_slice %arg7[%dma_wait3A_113] : memref<34816xf32, #tpu.memory_space<vmem>> -> memref<4096xf32, #tpu.memory_space<vmem>>
      tpu.wait_dma2 semaphore(%dma_wait3A_111 : memref<!tpu.dma_semaphore, #tpu.memory_space<semaphore_mem>>) src(%dma_wait3A_114 : memref<4096xf32, #tpu.memory_space<vmem>>) dst(%dma_wait3A_112 : memref<4096xf32, #tpu.memory_space<hbm>>)
    } else {
    }
    return
  }
}

</mosaic_0001>

<sc_bundles>
// kernel: kernel.3.cloned.1.call-start
scs
__scs_entry_jumppad:
0x0: {  	(pc) =	sbr.rel $0x88, $3  }
0x1: {  	(tag) =	ssettag $0x0;
	lr =	simm.s32 $0x1  }
0x2: {  	[smem:$0x3FA0] =	sst lr;
	_ =	strace $0xD0000000  }
0x3: {  	_ = 	snop  }
0x4: {  	_ = 	snop  }
0x5: {  	_ = 	snop  }
0x6: {  	_ = 	snop  }
0x7: {  	_ = 	snop  }
__scs_overlays_trampoline_lowered:
0x8: {  	[smem:$0x3FAF] =	sst s0  }
0x9: {  	[smem:$0x3FB0] =	sst s1  }
0xa: {  	[smem:$0x3FB1] =	sst s2  }
0xb: {  	[smem:$0x3FB2] =	sst s3  }
0xc: {  	[smem:$0x3FB3] =	sst s4  }
0xd: {  	[smem:$0x3FB4] =	sst s5  }
0xe: {  	[smem:$0x3FB5] =	sst s6  }
0xf: {  	[smem:$0x3FB6] =	sst s7  }
0x10: {  	[smem:$0x3FB7] =	sst s8  }
0x11: {  	[smem:$0x3FB8] =	sst s9;
	s0 =	simm.s32 @!p0 $0x0  }
0x12: {  	s1 =	sld [smem:$0x3F9E];
	s0 =	simm.s32 @p0 $0x1  }
0x13: {  	[smem:$0x3FB9] =	sst s0;
	s0 =	simm.s32 @!p1 $0x0  }
0x14: {  	s2 =	sld [smem:$0x3F9D];
	s0 =	simm.s32 @p1 $0x1  }
0x15: {  	[smem:$0x3FBA] =	sst s0;
	s0 =	simm.s32 @!p2 $0x0  }
0x16: {  	s3 =	sld [smem:$0x3FDB];
	s0 =	simm.s32 @p2 $0x1  }
0x17: {  	s4 =	simm.s32 $0x1BF5;
	[smem:$0x3FBC] =	sst s0  }
0x18: {  	s0 =	sld [smem:$0x3F9F];
	_ =	swait.ge [sflag:s4], $0x0  }
0x19: {  	s7 =	sld [smem:$0x3FA0]  }
0x1a: {  	s8 =	sadd.s32 $0xFFFFE003, lr  }
0x1b: {  	s9 =	sadd.s32 $0xFFFFFEF7, lr;
	s5 =	simm.s32 $0xFFFFFFFF;
	p2 =	slt.u32 s8, $0xFFFFF086  }
0x1c: {  	p1 =	slt.u32 s9, $0xF7A;
	s5 =	simm.s32 @!p2 $0x0  }
0x1d: {  	s5 =	simm.s32 @p1 $0x1;
	p0 =	seq.s32 s7, s2  }
0x1e: {  	s7 =	smul.u32 @!p0 $0xF7A, s2;
	p2 =	seq.s32 @!p0 s5, $0x0  }
0x1f: {  	s9 =	smul.u32 $0xF7A, s1;
	s8 =	simm.s32 @!p0 $0x1BF5;
	p2 =	por !p2, p0  }
0x20: {  	[sflag:s8] =	ssyncset.s32 @!p0 $0xFFFFF086;
	s6 =	sadd.s32 @!p0 s3, s7;
	s7 =	simm.s32 @!p0 $0x108  }
0x21: {  	s3 =	sadd.s32 s3, s9;
	s6 =	sadd.s32 @!p0 $0x88, s6;
	s7 =	simm.s32 @p2 $0x1082  }
0x22: {  	[simem:s7], [sflag:s8] =	dma.local @!p0 [hbm:s6], $0xF7A  }
0x23: {  	s9 =	sor.u32 $0xD0000000, s2;
	s6 =	simm.s32 $0x108;
	_ =	swait.ge @!p0 [sflag:s8], $0x0  }
0x24: {  	s3 =	sadd.s32 $0x88, s3;
	s6 =	simm.s32 @!p1 $0x1082;
	[sflag:s4] =	ssyncset.s32 $0xFFFFF086  }
0x25: {  	[simem:s6], [sflag:s4] =	dma.local [hbm:s3], $0xF7A  }
0x26: {  	[smem:$0x3FA0] =	sst s1;
	(tag) =	ssettag s2;
	_ =	strace s9  }
0x27: {  	s1 =	sld [smem:$0x3FB0]  }
0x28: {  	s2 =	sld [smem:$0x3FB1]  }
0x29: {  	s4 =	sld [smem:$0x3FB3]  }
0x2a: {  	p0 =	seq.s32 s5, $0x0;
	s5 =	sld [smem:$0x3FB4]  }
0x2b: {  	s6 =	sld [smem:$0x3FB5]  }
0x2c: {  	s7 =	sld [smem:$0x3FB6]  }
0x2d: {  	s3 =	simm.s32 $0x108;
	s8 =	sld [smem:$0x3FB7]  }
0x2e: {  	s3 =	simm.s32 @!p0 $0x1082;
	s9 =	sld [smem:$0x3FB8]  }
0x2f: {  	lr =	sadd.s32 s0, s3;
	s0 =	sld [smem:$0x3FAF]  }
0x30: {  	s3 =	sld [smem:$0x3FB2]  }
0x31: {  	[smem:$0x3FBB] =	sst s10  }
0x32: {  	s10 =	sld [smem:$0x3FB9];
	_ =	sdelay $0x3  }
0x33: {  	p0 =	seq.s32 s10, $0x1;
	s10 =	sld [smem:$0x3FBB];
	_ =	sdelay $0x3  }
0x34: {  	[smem:$0x3FBB] =	sst s10  }
0x35: {  	s10 =	sld [smem:$0x3FBA];
	_ =	sdelay $0x3  }
0x36: {  	p1 =	seq.s32 s10, $0x1;
	s10 =	sld [smem:$0x3FBB];
	_ =	sdelay $0x3  }
0x37: {  	[smem:$0x3FBB] =	sst s10  }
0x38: {  	s10 =	sld [smem:$0x3FBC]  }
0x39: {  	_ = 	snop;
	(pc) =	sbr.ind lr, $3  }
0x3a: {  	_ = 	snop  }
0x3b: {  	_ = 	snop  }
0x3c: {  	p2 =	seq.s32 s10, $0x1;
	s10 =	sld [smem:$0x3FBB]  }
0x3d: {  	_ =	shalt  }
0x3e: {  	_ =	shalt  }
0x3f: {  	_ =	shalt  }
0x40: {  	_ =	shalt  }
0x41: {  	_ =	shalt  }
0x42: {  	_ =	shalt  }
0x43: {  	_ =	shalt  }
0x44: {  	_ =	shalt  }
0x45: {  	_ =	shalt  }
0x46: {  	_ =	shalt  }
0x47: {  	_ =	shalt  }
0x48: {  	_ =	shalt  }
0x49: {  	_ =	shalt  }
0x4a: {  	_ =	shalt  }
0x4b: {  	_ =	shalt  }
0x4c: {  	_ =	shalt  }
0x4d: {  	_ =	shalt  }
0x4e: {  	_ =	shalt  }
0x4f: {  	_ =	shalt  }
0x50: {  	_ =	shalt  }
0x51: {  	_ =	shalt  }
0x52: {  	_ =	shalt  }
0x53: {  	_ =	shalt  }
0x54: {  	_ =	shalt  }
0x55: {  	_ =	shalt  }
0x56: {  	_ =	shalt  }
0x57: {  	_ =	shalt  }
0x58: {  	_ =	shalt  }
0x59: {  	_ =	shalt  }
0x5a: {  	_ =	shalt  }
0x5b: {  	_ =	shalt  }
0x5c: {  	_ =	shalt  }
0x5d: {  	_ =	shalt  }
0x5e: {  	_ =	shalt  }
0x5f: {  	_ =	shalt  }
0x60: {  	_ =	shalt  }
0x61: {  	_ =	shalt  }
0x62: {  	_ =	shalt  }
0x63: {  	_ =	shalt  }
0x64: {  	_ =	shalt  }
0x65: {  	_ =	shalt  }
0x66: {  	_ =	shalt  }
0x67: {  	_ =	shalt  }
0x68: {  	_ =	shalt  }
0x69: {  	_ =	shalt  }
0x6a: {  	_ =	shalt  }
0x6b: {  	_ =	shalt  }
0x6c: {  	_ =	shalt  }
0x6d: {  	_ =	shalt  }
0x6e: {  	_ =	shalt  }
0x6f: {  	_ =	shalt  }
0x70: {  	_ =	shalt  }
0x71: {  	_ =	shalt  }
0x72: {  	_ =	shalt  }
0x73: {  	_ =	shalt  }
0x74: {  	_ =	shalt  }
0x75: {  	_ =	shalt  }
0x76: {  	_ =	shalt  }
0x77: {  	_ =	shalt  }
0x78: {  	_ =	shalt  }
0x79: {  	_ =	shalt  }
0x7a: {  	_ =	shalt  }
0x7b: {  	_ =	shalt  }
0x7c: {  	_ =	shalt  }
0x7d: {  	_ =	shalt  }
0x7e: {  	_ =	shalt  }
0x7f: {  	_ =	shalt  }
0x80: {  	_ =	shalt  }
0x81: {  	_ =	shalt  }
0x82: {  	_ =	shalt  }
0x83: {  	_ =	shalt  }
0x84: {  	_ =	shalt  }
0x85: {  	_ =	shalt  }
0x86: {  	_ =	shalt  }
0x87: {  	_ =	shalt  }
.Lfunc_end0:
.L_simem_size_0:
called_computation_lowered:
.L_overlay_start_0:
0x88: {  	s2 =	sld [smem:$0x3FD9]  }
0x89: {  	s3 =	sld [smem:$0x3FFE];
	_ =	sdelay $0x1  }
0x8a: {  	s1 =	srdreg.scid  }
0x8b: {  	s0 =	sand.u32 $0x1, s1  }
0x8c: {  	s17 =	sshll.u32 s0, $0xA;
	s2 =	sadd.s32 s3, s2  }
0x8d: {  	s2 =	sadd.s32 s2, s17  }
0x8e: {  	[smem:$0x3FC7] =	sst s2  }
0x8f: {  	_ = 	snop  }
0x90: {  	s2 =	sld [smem:$0x3FC9]  }
0x91: {  	s18 =	sld [smem:$0x3FD0];
	(tm) =	ssettm $0x1  }
0x92: {  	s4 =	sld [smem:$0x3FFB];
	_ =	sdelay $0x3  }
0x93: {  	_ =	strace s4  }
0x94: {  	s4 =	sld [smem:$0x3FFC];
	_ =	sdelay $0x3  }
0x95: {  	_ =	strace s4  }
0x96: {  	s4 =	sld [smem:$0x3FFD];
	_ =	sdelay $0x3  }
0x97: {  	_ =	strace s4  }
0x98: {  	_ =	strace $0x8FFFFFFF  }
0x99: {  	s19 =	sld [smem:$0x3FDB];
	_ =	sdelay $0x1  }
0x9a: {  	s5 =	simm.s32 $_scs_section_size  }
0x9b: {  	s6 =	simm.s32 $_size__tile_overlayer_lowered;
	s7 =	simm.s32 $_tile_overlayer_lowered  }
0x9c: {  	s22 =	simm.s32 $0x1BFF;
	s21 =	sshll.u32 s7, $0x1;
	s4 =	sadd.s32 s5, s19  }
0x9d: {  	s8 =	simm.s32 $0x0;
	s20 =	sshll.u32 s6, $0x1;
	s6 =	sadd.s32 s21, s4  }
0x9e: {  	[timem:s8], [sflag:s22] =	dma.local [hbm:s6], s20  }
0x9f: {  	_ =	swait.ge [sflag:s22], s20  }
0xa0: {  	s5 =	ssub.s32 $0x0, s20;
	[sflag:s22] =	ssyncset.done $0x0  }
0xa1: {  	[sflag:s22] =	ssyncadd.s32 s5;
	_ =	sdelay $0x1  }
0xa2: {  	s23 =	simm.s32 $0x1B8B  }
0xa3: {  	_ =	swait.ge [sflag:s23], $0x1  }
0xa4: {  	[sflag:s23] =	ssyncset.done $0x0  }
0xa5: {  	s25 =	simm.s32 $0x1B8E;
	s24 =	sld [smem:$0x3FFE];
	[sflag:s23] =	ssyncadd.s32 $0xFFFFFFFF  }
0xa6: {  	s26 =	simm.s32 $execute0_lowered;
	[smem:$0x3FD2] =	sst s25  }
0xa7: {  	s6 =	sshll.u32 s26, $0x1;
	_ =	strace $0x80000046;
	[dreg:$0x1] =	wrdreg $0xFFFFFFFF  }
0xa8: {  	s28 =	simm.s32 $_size_execute0_lowered;
	s4 =	sadd.s32 s4, s6;
	[dreg:$0x0] =	wrdreg $0x0  }
0xa9: {  	s6 =	sshll.u32 s28, $0x1;
	[dreg:$0x2] =	wrdreg s4  }
0xaa: {  	[dreg:$0x3] =	wrdreg s6  }
0xab: {  	[dreg:$0x4] =	wrdreg $0xC0  }
0xac: {  	_ =	task [dreg:s8], $0x5FFFF  }
0xad: {  	[dreg:$0x1] =	wrdreg $0xFFFFFFFF  }
0xae: {  	[dreg:$0x0] =	wrdreg $0x60  }
0xaf: {  	[dreg:$0x2] =	wrdreg s2  }
0xb0: {  	[dreg:$0x3] =	wrdreg s24  }
0xb1: {  	[dreg:$0x4] =	wrdreg s18  }
0xb2: {  	[dreg:$0x5] =	wrdreg $0x9  }
0xb3: {  	_ =	task.clear_ibuf [dreg:s8], $0x6FFFF;
	_ =	strace $0x90000046  }
0xb4: {  	s29 =	simm.s32 $0x9;
	_ =	strace $0x80000048  }
0xb5: {  	_ =	swait.ge [sflag:s29], $0x1  }
0xb6: {  	[sflag:s29] =	ssyncadd.s32 $0xFFFFFFFF  }
0xb7: {  	_ =	strace $0x90000048  }
0xb8: {  	_ =	sfence  }
0xb9: {  	s30 =	sld [smem:$0x0];
	_ =	sdelay $0x2  }
0xba: {  	s31 =	sshll.u32 s1, $0xD;
	s1 =	sshrl.u32 s1, $0x2  }
0xbb: {  	s3 =	sand.u32 $0x4000, s31;
	s1 =	sadd.s32 s1, s30  }
0xbc: {  	s0 =	sor.u32 s3, s0;
	s1 =	sshll.u32 s1, $0x11  }
0xbd: {  	s0 =	sor.u32 s1, s0  }
0xbe: {  	s0 =	sadd.s32 $0x8F2B, s0  }
0xbf: {  	[sflag:s0] =	ssyncadd.remote.s32 $0x1  }
0xc0: {  	_ =	sfence.sel $0xFFFF  }
0xc1: {  	[dreg:$0x0] =	wrdreg $0xFFFFFFFF;
	(pc) =	sbr.abs _section_cstart, $3  }
0xc2: {  	[dreg:$0x1] =	wrdreg $0xFFFFFFFF  }
0xc3: {  	_ =	task.clear_ibuf [dreg:s8], $0x2FFFF;
	_ =	strace $0x9FFFFFFF  }
0xc4: {  	(tm) =	ssettm $0x7FFFFFFF  }
0xc5: {  	_ =	shalt  }
tec
execute0_lowered:
.L_overlay_start_1:
0x0: {  	(tag) =	ssettag $0x1  }
0x1: {  	s7 =	rddreg [dreg:$0x0]  }
0x2: {  	s4 =	rddreg [dreg:$0x1]  }
0x3: {  	s10 =	rddreg [dreg:$0x2]  }
0x4: {  	s3 =	srdreg.scid;
	s1 =	stileid.u32  }
0x5: {  	s2 =	simm.s32 $0x0;
	s14 =	simm.s32 $0x7;
	s15 =	simm.s32 $0x11080  }
0x6: {  	s16 =	simm.s32 $0x1;
	s17 =	simm.s32 $0x8800;
	s18 =	simm.s32 $0x2  }
0x7: {  	s19 =	simm.s32 $0xC400;
	s20 =	simm.s32 $0x4;
	s21 =	simm.s32 $0x5  }
0x8: {  	s22 =	simm.s32 $0x3;
	s23 =	simm.s32 $0x10000;
	s24 =	simm.s32 $0x6  }
0x9: {  	s25 =	simm.s32 $0x0;
	s12 =	sand.u32 $0x1, s3;
	s29 =	sshll.u32 s1, $0x1  }
0xa: {  	[smem:$0x7FF] =	sst s2;
	s30 =	sshll.u32 s1, $0x9;
	s3 =	sor.u32 s12, s29  }
0xb: {  	_ =	strace $0x80000047;
	s5 =	ssub.s32 $0x2, s12;
	s13 =	sor.u32 $0x1E000, s30  }
0xc: {  	p0 =	seq.s32 s12, $0x0;
	s12 =	simm.s32 $0x3C00;
	s6 =	smul.u32 $0x7800, s3  }
.Ltmp0:
0xd: {  	s3 =	sadd.s32 $0x600, s4;
	s8 =	sshrl.u32 s5, $0x1;
	(pc) =	sbr.rel .LBB2_1-.Ltmp0, $4  }
0xe: {  	s4 =	sadd.s32 $0x400, s4;
	s11 =	ssub.s32 s5, s8;
	s31 =	sshrl.u32 s6, $0x3  }
0xf: {  	s11 =	smax.u32 s11, $0x1;
	s5 =	sadd.s32 s7, s31;
	s9 =	sadd.s32 $0x780, s31  }
0x10: {  	s8 =	sadd.s32 s10, s31;
	s6 =	sadd.s32 s7, s9;
	s7 =	sadd.s32 s7, s13  }
0x11: {  	v0 =	vimm.s32 $0x0;
	s9 =	sadd.s32 s10, s9;
	s10 =	sadd.s32 s10, s13;
	s13 =	simm.s32 $0x11000  }
.LBB2_9:
0x12: {  	_ =	swait.ge [sflag:s20], $0x3C00  }
0x13: {  	[sflag:s20] =	ssyncset.done $0x0  }
0x14: {  	[sflag:s20] =	ssyncadd.s32 $0xFFFFC400  }
0x15: {  	_ =	swait.ge [sflag:s21], $0x3C00  }
0x16: {  	[sflag:s21] =	ssyncset.done $0x0  }
0x17: {  	[sflag:s21] =	ssyncadd.s32 $0xFFFFC400  }
.LBB2_10:
0x18: {  	s25 =	sadd.s32 $0x1, s25  }
0x19: {  	p1 =	sne.s32 s25, s11  }
.Ltmp1:
0x1a: {  	_ = 	snop;
	(pc) =	sbr.rel @!p1 .LBB2_11-.Ltmp1, $1  }
0x1b: {  	_ =	sdelay $0x3  }
.LBB2_1:
0x1c: {  	[tilespmem:s2], [sflag:$0x1] =	stream.linear.gather [hbm4b:s5+s2], $0x3C00, $0x38;
	[tilespmem:$0x11100] =	vst v63  }
0x1d: {  	_ = 	snop  }
0x1e: {  	[tilespmem:s12], [sflag:$0x2] =	stream.linear.gather [hbm4b:s6+s2], $0x3C00, $0x38;
	[tilespmem:$0x11100] =	vst v63  }
0x1f: {  	s26 =	simm.s32 @!p0 $0x0;
	s28 =	simm.s32 @!p0 $0x7800  }
0x20: {  	[tilespmem:s28], [sflag:$0x3] =	stream.linear.gather @!p0 [hbm4b:s7+s26], $0x1000, $0x38;
	[tilespmem:$0x11100] =	vst v63  }
0x21: {  	_ = 	snop  }
0x22: {  	[tilespmem:s13], [sflag:$0x7] =	stream.linear.gather [hbm4b:s3+s2], $0x80, $0x38;
	[tilespmem:$0x11100] =	vst v63  }
0x23: {  	_ =	swait.ge [sflag:s14], $0x80  }
0x24: {  	[sflag:s14] =	ssyncset.done $0x0  }
0x25: {  	[sflag:s14] =	ssyncadd.s32 $0xFFFFFF80  }
0x26: {  	[tilespmem:s15], [sflag:$0x7] =	stream.linear.gather [hbm4b:s4+s2], $0x80, $0x38;
	[tilespmem:$0x11100] =	vst v63  }
0x27: {  	_ =	swait.ge [sflag:s14], $0x80  }
0x28: {  	[sflag:s14] =	ssyncset.done $0x0  }
0x29: {  	[sflag:s14] =	ssyncadd.s32 $0xFFFFFF80  }
0x2a: {  	_ =	swait.ge [sflag:s16], $0x3C00  }
0x2b: {  	[sflag:s16] =	ssyncset.done $0x0  }
0x2c: {  	s31 =	simm.s32 $0x40;
	[sflag:s16] =	ssyncadd.s32 $0xFFFFC400  }
0x2d: {  	v1 =	vld [tilespmem:s31+$0x30]  }
0x2e: {  	v7 =	vld [tilespmem:s31+$0xFFFFFFD0]  }
0x2f: {  	v6 =	vld [tilespmem:s31+$0xFFFFFFE0]  }
0x30: {  	v5 =	vld [tilespmem:s31+$0xFFFFFFF0]  }
0x31: {  	v4 =	vld [tilespmem:s31+$0x0]  }
0x32: {  	v3 =	vld [tilespmem:s31+$0x10]  }
0x33: {  	v11 =	vld [tilespmem:s31+$0xFFFFFFC0];
	_ =	sdelay $0x1  }
0x34: {  	v2 =	vsub.f32 $1.000000000e+00, v1  }
0x35: {  	v8 =	vsub.f32 $1.000000000e+00, v7;
	v10 =	vsub.f32 $1.000000000e+00, v6  }
0x36: {  	v12 =	vsub.f32 $1.000000000e+00, v5;
	v13 =	vsub.f32 $1.000000000e+00, v4  }
0x37: {  	v14 =	vsub.f32 $1.000000000e+00, v3;
	v16 =	vsub.f32 $1.000000000e+00, v11;
	v9 =	vsub.s32 v1, v2  }
0x38: {  	v8 =	vsub.s32 v7, v8;
	v10 =	vsub.s32 v6, v10;
	v12 =	vsub.s32 v5, v12  }
0x39: {  	v13 =	vsub.s32 v4, v13;
	v9 =	vcvt.s32.f32 v9;
	v8 =	vcvt.s32.f32 v8  }
0x3a: {  	v2 =	vld [tilespmem:s31+$0x20];
	v14 =	vsub.s32 v3, v14;
	v10 =	vcvt.s32.f32 v10;
	v12 =	vcvt.s32.f32 v12  }
0x3b: {  	v16 =	vsub.s32 v11, v16;
	v13 =	vcvt.s32.f32 v13;
	v14 =	vcvt.s32.f32 v14  }
0x3c: {  	v16 =	vcvt.s32.f32 v16;
	v9 =	vmul.f32 $3.305183330e-07, v9  }
0x3d: {  	v8 =	vmul.f32 $3.305183330e-07, v8;
	v10 =	vmul.f32 $3.305183330e-07, v10  }
0x3e: {  	v12 =	vmul.f32 $3.305183330e-07, v12;
	v16 =	vmul.f32 $3.305183330e-07, v16  }
0x3f: {  	v13 =	vmul.f32 $3.305183330e-07, v13;
	v9 =	vadd.f32 $3.725000000e+01, v9;
	v15 =	vsub.f32 $1.000000000e+00, v2  }
0x40: {  	s0 =	simm.s32 $0xC0;
	v14 =	vmul.f32 $3.305183330e-07, v14;
	v8 =	vadd.f32 $3.725000000e+01, v8;
	v10 =	vadd.f32 $3.725000000e+01, v10  }
0x41: {  	v24 =	vld [tilespmem:s0+$0x30];
	v16 =	vadd.f32 $3.725000000e+01, v16;
	v13 =	vadd.f32 $3.725000000e+01, v13;
	v9 =	vtrunc.f32 v9  }
0x42: {  	v23 =	vld [tilespmem:s0+$0xFFFFFFC0];
	v14 =	vadd.f32 $3.725000000e+01, v14;
	v8 =	vtrunc.f32 v8;
	v10 =	vtrunc.f32 v10  }
0x43: {  	v21 =	vld [tilespmem:s0+$0xFFFFFFD0];
	v16 =	vtrunc.f32 v16;
	v13 =	vtrunc.f32 v13  }
0x44: {  	v20 =	vld [tilespmem:s0+$0xFFFFFFE0];
	v15 =	vsub.s32 v2, v15;
	v14 =	vtrunc.f32 v14;
	v9 =	vcvt.f32.s32 v9  }
0x45: {  	v19 =	vld [tilespmem:s0+$0xFFFFFFF0];
	v12 =	vadd.f32 $3.725000000e+01, v12;
	v15 =	vcvt.s32.f32 v15;
	v28 =	vcvt.f32.s32 v13  }
0x46: {  	v25 =	vcvt.f32.s32 v8;
	v8 =	vsub.f32 $1.000000000e+00, v24;
	v29 =	vcvt.f32.s32 v14  }
0x47: {  	v18 =	vld [tilespmem:s0+$0x0];
	v33 =	vsub.f32 $1.000000000e+00, v23;
	v16 =	vcvt.f32.s32 v16;
	v15 =	vmul.f32 $3.305183330e-07, v15  }
0x48: {  	v12 =	vtrunc.f32 v12;
	v26 =	vcvt.f32.s32 v10;
	v8 =	vsub.s32 v24, v8  }
0x49: {  	v17 =	vld [tilespmem:s0+$0x10];
	v10 =	vsub.f32 $1.000000000e+00, v21;
	v8 =	vcvt.s32.f32 v8;
	v15 =	vadd.f32 $3.725000000e+01, v15  }
0x4a: {  	v27 =	vcvt.f32.s32 v12;
	v12 =	vsub.f32 $1.000000000e+00, v20;
	v13 =	vsub.f32 $1.000000000e+00, v19;
	v22 =	vld.idx.msk [tilespmem:v9+s13+$0x0], $0xffff  }
0x4b: {  	v10 =	vsub.s32 v21, v10;
	v8 =	vmul.f32 $3.305183330e-07, v8;
	v15 =	vtrunc.f32 v15;
	v61 =	vld.idx.msk [tilespmem:v28+s13+$0x0], $0xffff  }
0x4c: {  	v12 =	vsub.s32 v20, v12;
	v62 =	vld.idx.msk [tilespmem:v29+s13+$0x0], $0xffff;
	v30 =	vcvt.f32.s32 v15;
	v15 =	vsub.f32 $1.000000000e+00, v18  }
0x4d: {  	v13 =	vsub.s32 v19, v13;
	v10 =	vcvt.s32.f32 v10;
	v31 =	vld.idx.msk [tilespmem:v16+s13+$0x0], $0xffff;
	v8 =	vadd.f32 $3.725000000e+01, v8  }
0x4e: {  	v12 =	vcvt.s32.f32 v12;
	v13 =	vcvt.s32.f32 v13;
	v15 =	vsub.s32 v18, v15  }
0x4f: {  	v33 =	vsub.s32 v23, v33;
	v8 =	vtrunc.f32 v8;
	v15 =	vcvt.s32.f32 v15  }
0x50: {  	v34 =	vcvt.f32.s32 v8;
	v8 =	vcvt.s32.f32 v33;
	vm0 =	vlt.f32 v1, v22  }
0x51: {  	v22 =	vsub.f32 $1.000000000e+00, v17;
	vm4 =	vlt.f32 v4, v61;
	vm5 =	vlt.f32 v3, v62  }
0x52: {  	v14 =	vsel vm0, $0xFFFFFFFF, v0;
	vm0 =	vlt.f32 v11, v31;
	v11 =	vmul.f32 $3.305183330e-07, v12  }
0x53: {  	v1 =	vld [tilespmem:s0+$0x20];
	v12 =	vmul.f32 $3.305183330e-07, v13;
	v8 =	vmul.f32 $3.305183330e-07, v8;
	v22 =	vsub.s32 v17, v22  }
0x54: {  	v13 =	vld.idx.msk [tilespmem:v26+s13+$0x0], $0xffff;
	v35 =	vadd.s32 v14, v9;
	v9 =	vmul.f32 $3.305183330e-07, v10;
	v14 =	vmul.f32 $3.305183330e-07, v15  }
0x55: {  	v4 =	vsel vm0, $0xFFFFFFFF, v0;
	v22 =	vcvt.s32.f32 v22;
	v11 =	vadd.f32 $3.725000000e+01, v11  }
0x56: {  	v10 =	vld.idx.msk [tilespmem:v25+s13+$0x0], $0xffff;
	v8 =	vadd.f32 $3.725000000e+01, v8;
	v12 =	vadd.f32 $3.725000000e+01, v12;
	v63 =	vadd.s32 v4, v16  }
0x57: {  	v15 =	vld.idx.msk [tilespmem:v27+s13+$0x0], $0xffff;
	v9 =	vadd.f32 $3.725000000e+01, v9;
	v14 =	vadd.f32 $3.725000000e+01, v14;
	v22 =	vmul.f32 $3.305183330e-07, v22  }
0x58: {  	s31 =	simm.s32 $0x140;
	v32 =	vsub.f32 $1.000000000e+00, v1;
	v11 =	vtrunc.f32 v11;
	v8 =	vtrunc.f32 v8  }
0x59: {  	v4 =	vld [tilespmem:s31+$0x10];
	v37 =	vtrunc.f32 v12;
	v9 =	vtrunc.f32 v9;
	vm2 =	vlt.f32 v6, v13  }
0x5a: {  	v36 =	vld.idx.msk [tilespmem:v34+s13+$0x0], $0xffff;
	v12 =	vcvt.f32.s32 v8;
	v11 =	vcvt.f32.s32 v11;
	v32 =	vsub.s32 v1, v32  }
0x5b: {  	v22 =	vadd.f32 $3.725000000e+01, v22;
	vm1 =	vlt.f32 v7, v10;
	v7 =	vtrunc.f32 v14  }
0x5c: {  	vm3 =	vlt.f32 v5, v15;
	v13 =	vcvt.f32.s32 v9;
	v15 =	vld [tilespmem:s31+$0x30];
	v32 =	vcvt.s32.f32 v32  }
0x5d: {  	v33 =	vsel vm5, $0xFFFFFFFF, v0;
	v10 =	vcvt.f32.s32 v37;
	v14 =	vtrunc.f32 v22;
	v22 =	vld.idx.msk [tilespmem:v30+s13+$0x0], $0xffff  }
0x5e: {  	v9 =	vcvt.f32.s32 v7;
	v38 =	vsub.f32 $1.000000000e+00, v4;
	v31 =	vmul.f32 $3.305183330e-07, v32  }
0x5f: {  	v7 =	vld [tilespmem:s31+$0xFFFFFFD0];
	v6 =	vcvt.f32.s32 v14;
	vm6 =	vlt.f32 v24, v36;
	v14 =	vsel vm1, $0xFFFFFFFF, v0  }
0x60: {  	v24 =	vsel vm2, $0xFFFFFFFF, v0;
	v32 =	vsel vm4, $0xFFFFFFFF, v0;
	v25 =	vadd.s32 v14, v25;
	v14 =	vld [tilespmem:s31+$0x20]  }
0x61: {  	v38 =	vsub.s32 v4, v38;
	v3 =	vsel vm6, $0xFFFFFFFF, v0;
	v31 =	vadd.f32 $3.725000000e+01, v31;
	v52 =	vld.idx.msk [tilespmem:v12+s13+$0x0], $0xffff  }
0x62: {  	v16 =	vsub.f32 $1.000000000e+00, v15;
	vm0 =	vlt.f32 v2, v22;
	v22 =	vadd.s32 v3, v34;
	v3 =	vld [tilespmem:s31+$0xFFFFFFF0]  }
0x63: {  	v24 =	vadd.s32 v24, v26;
	v38 =	vcvt.s32.f32 v38;
	v8 =	vtrunc.f32 v31;
	v2 =	vld [tilespmem:s31+$0x0]  }
0x64: {  	v28 =	vadd.s32 v32, v28;
	v48 =	vsub.s32 v15, v16;
	v5 =	vcvt.f32.s32 v8;
	v8 =	vld [tilespmem:s31+$0xFFFFFFE0]  }
0x65: {  	v58 =	vmul.f32 $3.305183330e-07, v38;
	v31 =	vsel vm3, $0xFFFFFFFF, v0;
	v16 =	vld [tilespmem:s31+$0xFFFFFFC0];
	v32 =	vcvt.s32.f32 v48  }
0x66: {  	v47 =	vsel vm0, $0xFFFFFFFF, v0;
	v26 =	vadd.s32 v31, v27;
	v27 =	vsub.f32 $1.000000000e+00, v7  }
0x67: {  	v35 =	vld.idx.msk [tilespmem:v35+s15+$0x0], $0xffff;
	v31 =	vadd.s32 v33, v29;
	v30 =	vadd.s32 v47, v30;
	v32 =	vmul.f32 $3.305183330e-07, v32  }
0x68: {  	v56 =	vld.idx.msk [tilespmem:v63+s15+$0x0], $0xffff;
	v40 =	vsub.f32 $1.000000000e+00, v14;
	v27 =	vsub.s32 v7, v27;
	v49 =	vsub.f32 $1.000000000e+00, v3  }
0x69: {  	v41 =	vld.idx.msk [tilespmem:v11+s13+$0x0], $0xffff;
	v27 =	vcvt.s32.f32 v27;
	v32 =	vadd.f32 $3.725000000e+01, v32;
	v29 =	vsub.f32 $1.000000000e+00, v8  }
0x6a: {  	v53 =	vld.idx.msk [tilespmem:v13+s13+$0x0], $0xffff;
	vm0 =	vlt.f32 v23, v52;
	v50 =	vsub.f32 $1.000000000e+00, v2;
	v42 =	vsub.f32 $1.000000000e+00, v16  }
0x6b: {  	v51 =	vld.idx.msk [tilespmem:v22+s15+$0x0], $0xffff;
	v27 =	vmul.f32 $3.305183330e-07, v27;
	v32 =	vtrunc.f32 v32;
	v22 =	vsub.s32 v8, v29  }
0x6c: {  	v44 =	vld.idx.msk [tilespmem:v10+s13+$0x0], $0xffff;
	v42 =	vsub.s32 v16, v42;
	v39 =	vcvt.s32.f32 v22;
	v22 =	vsub.s32 v2, v50  }
0x6d: {  	v25 =	vld.idx.msk [tilespmem:v25+s15+$0x0], $0xffff;
	v23 =	vcvt.s32.f32 v42;
	v43 =	vcvt.s32.f32 v22;
	v22 =	vsub.s32 v14, v40  }
0x6e: {  	v24 =	vld.idx.msk [tilespmem:v24+s15+$0x0], $0xffff;
	v29 =	vsub.s32 v3, v49;
	v45 =	vcvt.s32.f32 v22;
	v22 =	vcvt.f32.s32 v32  }
0x6f: {  	v61 =	vld.idx.msk [tilespmem:v28+s15+$0x0], $0xffff;
	v28 =	vadd.f32 $3.725000000e+01, v58;
	vm1 =	vlt.f32 v21, v53;
	v29 =	vcvt.s32.f32 v29  }
0x70: {  	v54 =	vld.idx.msk [tilespmem:v9+s13+$0x0], $0xffff;
	v21 =	vmul.f32 $3.305183330e-07, v23;
	v23 =	vadd.f32 $3.725000000e+01, v27;
	v27 =	vmul.f32 $3.305183330e-07, v43  }
0x71: {  	s28 =	simm.s32 $0x8840;
	vm2 =	vlt.f32 v20, v41;
	v28 =	vtrunc.f32 v28;
	v26 =	vld.idx.msk [tilespmem:v26+s15+$0x0], $0xffff;
	v57 =	vmul.f32 $3.305183330e-07, v39  }
0x72: {  	[tilespmem:s28+$0x30] =	vst v35;
	v55 =	vld.idx.msk [tilespmem:v6+s13+$0x0], $0xffff;
	v29 =	vmul.f32 $3.305183330e-07, v29;
	v21 =	vadd.f32 $3.725000000e+01, v21;
	v27 =	vadd.f32 $3.725000000e+01, v27  }
0x73: {  	[tilespmem:s28+$0xFFFFFFD0] =	vst v25;
	v25 =	vld.idx.msk [tilespmem:v31+s15+$0x0], $0xffff;
	v60 =	vtrunc.f32 v23;
	v34 =	vadd.f32 $3.725000000e+01, v57;
	v59 =	vmul.f32 $3.305183330e-07, v45  }
0x74: {  	[tilespmem:s28+$0xFFFFFFE0] =	vst v24;
	v23 =	vadd.f32 $3.725000000e+01, v29;
	v24 =	vcvt.f32.s32 v60;
	v63 =	vtrunc.f32 v27;
	v27 =	vld.idx.msk [tilespmem:v22+s13+$0x0], $0xffff  }
0x75: {  	[tilespmem:s28+$0xFFFFFFC0] =	vst v56;
	vm3 =	vlt.f32 v19, v44;
	v29 =	vtrunc.f32 v21;
	v21 =	vld.idx.msk [tilespmem:v5+s13+$0x0], $0xffff;
	v34 =	vtrunc.f32 v34  }
0x76: {  	[tilespmem:s28+$0xFFFFFFF0] =	vst v26;
	v26 =	vld.idx.msk [tilespmem:v30+s15+$0x0], $0xffff;
	v62 =	vtrunc.f32 v23;
	v38 =	vadd.f32 $3.725000000e+01, v59;
	v23 =	vcvt.f32.s32 v29  }
0x77: {  	s26 =	simm.s32 $0x88C0;
	vm4 =	vlt.f32 v18, v54;
	[tilespmem:s28+$0x0] =	vst v61;
	v19 =	vcvt.f32.s32 v34;
	v20 =	vcvt.f32.s32 v62  }
0x78: {  	s29 =	simm.s32 $0x100;
	s30 =	simm.s32 $0x1C0;
	vm5 =	vlt.f32 v17, v55;
	[tilespmem:s26+$0x30] =	vst v51;
	v29 =	vtrunc.f32 v38;
	v18 =	vcvt.f32.s32 v63  }
.LBB2_2:
0x79: {  	s29 =	sadd.s32 $0x80, s29;
	v17 =	vcvt.f32.s32 v28;
	v28 =	vcvt.f32.s32 v29;
	vm6 =	vlt.f32 v15, v27;
	v15 =	vld [tilespmem:s30+$0x30]  }
0x7a: {  	v30 =	vsel vm0, $0xFFFFFFFF, v0;
	vm0 =	vlt.f32 v1, v21;
	v1 =	vmovc v14;
	v27 =	vld [tilespmem:s30+$0xFFFFFFD0];
	p1 =	slt.u32 s29, $0x3B80;
	v29 =	vsel vm6, $0xFFFFFFFF, v0;
	[tilespmem:s28+$0x10] =	vst v25  }
0x7b: {  	v14 =	vsel vm1, $0xFFFFFFFF, v0;
	v31 =	vld [tilespmem:s30+$0xFFFFFFE0];
	v21 =	vadd.s32 v29, v22;
	v22 =	vsel vm2, $0xFFFFFFFF, v0;
	[tilespmem:s28+$0x20] =	vst v26;
	s28 =	smov.u32 s26  }
0x7c: {  	v25 =	vsel vm3, $0xFFFFFFFF, v0;
	v26 =	vsel vm4, $0xFFFFFFFF, v0;
	v29 =	vsel vm5, $0xFFFFFFFF, v0;
	v32 =	vld [tilespmem:s30+$0xFFFFFFF0]  }
0x7d: {  	v30 =	vadd.s32 v30, v12;
	v34 =	vadd.s32 v14, v13;
	v35 =	vsel vm0, $0xFFFFFFFF, v0;
	v12 =	vmovc v23;
	v13 =	vmovc v24;
	v33 =	vld [tilespmem:s30+$0x0]  }
0x7e: {  	v25 =	vadd.s32 v25, v10;
	v10 =	vmovc v20;
	v24 =	vadd.s32 v22, v11;
	v11 =	vmovc v19;
	v36 =	vld [tilespmem:s30+$0x10];
	v23 =	vsub.f32 $1.000000000e+00, v15  }
0x7f: {  	v20 =	vadd.s32 v26, v9;
	v26 =	vadd.s32 v29, v6;
	v6 =	vmovc v17;
	v9 =	vmovc v18;
	v19 =	vsub.f32 $1.000000000e+00, v27;
	v14 =	vld [tilespmem:s30+$0x20]  }
0x80: {  	v17 =	vsub.f32 $1.000000000e+00, v31;
	v18 =	vsub.s32 v15, v23;
	v21 =	vld.idx.msk [tilespmem:v21+s15+$0x0], $0xffff;
	v23 =	vadd.s32 v35, v5;
	v5 =	vmovc v28  }
0x81: {  	v28 =	vld [tilespmem:s30+$0xFFFFFFC0];
	v19 =	vsub.s32 v27, v19;
	v22 =	vsub.f32 $1.000000000e+00, v32;
	v18 =	vcvt.s32.f32 v18  }
0x82: {  	v19 =	vcvt.s32.f32 v19;
	v17 =	vsub.s32 v31, v17;
	v29 =	vsub.f32 $1.000000000e+00, v33;
	v35 =	vld.idx.msk [tilespmem:v12+s13+$0x0], $0xffff  }
0x83: {  	v22 =	vsub.s32 v32, v22;
	v37 =	vsub.f32 $1.000000000e+00, v36;
	v18 =	vmul.f32 $3.305183330e-07, v18;
	v38 =	vld.idx.msk [tilespmem:v13+s13+$0x0], $0xffff  }
0x84: {  	v17 =	vcvt.s32.f32 v17;
	v29 =	vsub.s32 v33, v29;
	v39 =	vsub.f32 $1.000000000e+00, v14;
	v40 =	vld.idx.msk [tilespmem:v11+s13+$0x0], $0xffff  }
0x85: {  	s26 =	sadd.s32 $0x80, s26;
	v41 =	vcvt.s32.f32 v22;
	v22 =	vsub.s32 v36, v37;
	v18 =	vadd.f32 $3.725000000e+01, v18;
	v37 =	vld.idx.msk [tilespmem:v10+s13+$0x0], $0xffff  }
0x86: {  	v29 =	vcvt.s32.f32 v29;
	v42 =	vsub.f32 $1.000000000e+00, v28;
	v39 =	vsub.s32 v14, v39;
	v43 =	vld.idx.msk [tilespmem:v9+s13+$0x0], $0xffff;
	[tilespmem:s26+$0x30] =	vst v21  }
0x87: {  	v44 =	vcvt.s32.f32 v22;
	v18 =	vtrunc.f32 v18;
	v45 =	vld.idx.msk [tilespmem:v6+s13+$0x0], $0xffff  }
0x88: {  	v39 =	vcvt.s32.f32 v39;
	v42 =	vsub.s32 v28, v42;
	v22 =	vcvt.f32.s32 v18;
	v21 =	vld.idx.msk [tilespmem:v5+s13+$0x0], $0xffff  }
0x89: {  	v19 =	vmul.f32 $3.305183330e-07, v19;
	vm0 =	vlt.f32 v16, v35;
	v16 =	vmovc v28;
	v18 =	vcvt.s32.f32 v42;
	v30 =	vld.idx.msk [tilespmem:v30+s15+$0x0], $0xffff  }
0x8a: {  	v17 =	vmul.f32 $3.305183330e-07, v17;
	v28 =	vmul.f32 $3.305183330e-07, v41;
	vm1 =	vlt.f32 v7, v38;
	v7 =	vmovc v27;
	v34 =	vld.idx.msk [tilespmem:v34+s15+$0x0], $0xffff  }
0x8b: {  	v19 =	vadd.f32 $3.725000000e+01, v19;
	v27 =	vmul.f32 $3.305183330e-07, v29;
	v18 =	vmul.f32 $3.305183330e-07, v18;
	v24 =	vld.idx.msk [tilespmem:v24+s15+$0x0], $0xffff  }
0x8c: {  	v17 =	vadd.f32 $3.725000000e+01, v17;
	v29 =	vmul.f32 $3.305183330e-07, v44;
	v35 =	vmul.f32 $3.305183330e-07, v39;
	v38 =	vld.idx.msk [tilespmem:v25+s15+$0x0], $0xffff  }
0x8d: {  	v19 =	vtrunc.f32 v19;
	v25 =	vadd.f32 $3.725000000e+01, v28;
	v18 =	vadd.f32 $3.725000000e+01, v18;
	v39 =	vld.idx.msk [tilespmem:v20+s15+$0x0], $0xffff  }
0x8e: {  	v17 =	vtrunc.f32 v17;
	v28 =	vadd.f32 $3.725000000e+01, v29;
	v20 =	vadd.f32 $3.725000000e+01, v27;
	v27 =	vld.idx.msk [tilespmem:v22+s13+$0x0], $0xffff  }
.Ltmp2:
0x8f: {  	v29 =	vadd.f32 $3.725000000e+01, v35;
	v41 =	vtrunc.f32 v25;
	v18 =	vtrunc.f32 v18;
	[tilespmem:s28+$0xFFFFFFC0] =	vst v30;
	v25 =	vld.idx.msk [tilespmem:v26+s15+$0x0], $0xffff;
	(pc) =	sbr.rel @p1 .LBB2_2-.Ltmp2, $4  }
0x90: {  	vm2 =	vlt.f32 v8, v40;
	v8 =	vmovc v31;
	v28 =	vtrunc.f32 v28;
	v30 =	vtrunc.f32 v20;
	[tilespmem:s28+$0xFFFFFFD0] =	vst v34;
	v26 =	vld.idx.msk [tilespmem:v23+s15+$0x0], $0xffff  }
0x91: {  	vm3 =	vlt.f32 v3, v37;
	v3 =	vmovc v32;
	v29 =	vtrunc.f32 v29;
	v23 =	vcvt.f32.s32 v18;
	[tilespmem:s28+$0xFFFFFFE0] =	vst v24  }
0x92: {  	vm4 =	vlt.f32 v2, v43;
	v2 =	vmovc v33;
	v24 =	vcvt.f32.s32 v19;
	v19 =	vcvt.f32.s32 v17;
	[tilespmem:s28+$0xFFFFFFF0] =	vst v38  }
0x93: {  	s30 =	sadd.s32 $0x80, s30;
	vm5 =	vlt.f32 v4, v45;
	v4 =	vmovc v36;
	v20 =	vcvt.f32.s32 v41;
	v18 =	vcvt.f32.s32 v30;
	[tilespmem:s28+$0x0] =	vst v39  }
0x94: {  	_ =	sdelay $0x2  }
0x95: {  	v17 =	vcvt.f32.s32 v28  }
0x96: {  	vm6 =	vlt.f32 v15, v27;
	v27 =	vld.idx.msk [tilespmem:v23+s13+$0x0], $0xffff;
	v28 =	vsel vm0, $0xFFFFFFFF, v0;
	v30 =	vsel vm1, $0xFFFFFFFF, v0  }
0x97: {  	v31 =	vsel vm2, $0xFFFFFFFF, v0;
	v32 =	vsel vm3, $0xFFFFFFFF, v0;
	v12 =	vadd.s32 v28, v12;
	v28 =	vld.idx.msk [tilespmem:v19+s13+$0x0], $0xffff  }
0x98: {  	v15 =	vsel vm6, $0xFFFFFFFF, v0;
	v13 =	vadd.s32 v30, v13;
	v30 =	vld.idx.msk [tilespmem:v20+s13+$0x0], $0xffff;
	v11 =	vadd.s32 v31, v11  }
0x99: {  	v31 =	vld.idx.msk [tilespmem:v18+s13+$0x0], $0xffff;
	v10 =	vadd.s32 v32, v10;
	v15 =	vadd.s32 v15, v22;
	v22 =	vcvt.f32.s32 v29  }
0x9a: {  	v29 =	vld.idx.msk [tilespmem:v24+s13+$0x0], $0xffff  }
0x9b: {  	v33 =	vsel vm4, $0xFFFFFFFF, v0;
	vm0 =	vlt.f32 v1, v21;
	v1 =	vsel vm5, $0xFFFFFFFF, v0;
	v57 =	vld.idx.msk [tilespmem:v17+s13+$0x0], $0xffff  }
0x9c: {  	v9 =	vadd.s32 v33, v9;
	v1 =	vadd.s32 v1, v6;
	v6 =	vld.idx.msk [tilespmem:v12+s15+$0x0], $0xffff  }
0x9d: {  	v11 =	vld.idx.msk [tilespmem:v11+s15+$0x0], $0xffff  }
0x9e: {  	v58 =	vsel vm0, $0xFFFFFFFF, v0;
	vm0 =	vlt.f32 v16, v27;
	v10 =	vld.idx.msk [tilespmem:v10+s15+$0x0], $0xffff  }
0x9f: {  	v5 =	vadd.s32 v58, v5;
	v12 =	vsel vm0, $0xFFFFFFFF, v0;
	vm1 =	vlt.f32 v7, v29;
	v21 =	vld.idx.msk [tilespmem:v22+s13+$0x0], $0xffff  }
0xa0: {  	[tilespmem:s28+$0x10] =	vst v25;
	vm0 =	vlt.f32 v8, v28;
	v7 =	vld.idx.msk [tilespmem:v13+s15+$0x0], $0xffff;
	v12 =	vadd.s32 v12, v23;
	v8 =	vsel vm1, $0xFFFFFFFF, v0  }
0xa1: {  	[tilespmem:s28+$0x20] =	vst v26;
	v9 =	vld.idx.msk [tilespmem:v9+s15+$0x0], $0xffff;
	vm1 =	vlt.f32 v3, v30;
	v3 =	vsel vm0, $0xFFFFFFFF, v0;
	v8 =	vadd.s32 v8, v24  }
0xa2: {  	v1 =	vld.idx.msk [tilespmem:v1+s15+$0x0], $0xffff;
	vm0 =	vlt.f32 v2, v31;
	v2 =	vsel vm1, $0xFFFFFFFF, v0;
	v3 =	vadd.s32 v3, v19;
	[tilespmem:s26+$0xFFFFFFC0] =	vst v6  }
0xa3: {  	v15 =	vld.idx.msk [tilespmem:v15+s15+$0x0], $0xffff;
	v2 =	vadd.s32 v2, v20;
	vm1 =	vlt.f32 v4, v57;
	v4 =	vsel vm0, $0xFFFFFFFF, v0;
	[tilespmem:s26+$0xFFFFFFE0] =	vst v11  }
0xa4: {  	v5 =	vld.idx.msk [tilespmem:v5+s15+$0x0], $0xffff;
	[tilespmem:s26+$0xFFFFFFF0] =	vst v10;
	v6 =	vsel vm1, $0xFFFFFFFF, v0;
	v4 =	vadd.s32 v4, v18;
	vm0 =	vlt.f32 v14, v21  }
0xa5: {  	[tilespmem:s26+$0xFFFFFFD0] =	vst v7;
	v11 =	vld.idx.msk [tilespmem:v12+s15+$0x0], $0xffff;
	v6 =	vadd.s32 v6, v17;
	v7 =	vsel vm0, $0xFFFFFFFF, v0  }
0xa6: {  	[tilespmem:s26+$0x0] =	vst v9;
	v8 =	vld.idx.msk [tilespmem:v8+s15+$0x0], $0xffff;
	v7 =	vadd.s32 v7, v22  }
0xa7: {  	s28 =	sadd.s32 $0x80, s26;
	[tilespmem:s26+$0x10] =	vst v1;
	v3 =	vld.idx.msk [tilespmem:v3+s15+$0x0], $0xffff  }
0xa8: {  	[tilespmem:s28+$0x30] =	vst v15;
	v1 =	vld.idx.msk [tilespmem:v2+s15+$0x0], $0xffff  }
0xa9: {  	[tilespmem:s26+$0x20] =	vst v5;
	v2 =	vld.idx.msk [tilespmem:v4+s15+$0x0], $0xffff  }
0xaa: {  	[tilespmem:s28+$0xFFFFFFC0] =	vst v11;
	v4 =	vld.idx.msk [tilespmem:v6+s15+$0x0], $0xffff  }
0xab: {  	[tilespmem:s28+$0xFFFFFFD0] =	vst v8;
	v5 =	vld.idx.msk [tilespmem:v7+s15+$0x0], $0xffff  }
0xac: {  	[tilespmem:s28+$0xFFFFFFE0] =	vst v3  }
0xad: {  	[tilespmem:s28+$0xFFFFFFF0] =	vst v1  }
0xae: {  	[tilespmem:s28+$0x0] =	vst v2  }
0xaf: {  	[tilespmem:s28+$0x10] =	vst v4  }
0xb0: {  	[tilespmem:s28+$0x20] =	vst v5  }
0xb1: {  	[hbm4b:s8+s2] =	stream.linear.scatter [tilespmem:s17], [sflag:$0x4], $0x3C00, $0x38;
	[tilespmem:$0x11100] =	vst v63  }
0xb2: {  	_ =	swait.ge [sflag:s18], $0x3C00  }
0xb3: {  	[sflag:s18] =	ssyncset.done $0x0  }
0xb4: {  	s31 =	simm.s32 $0x3C70;
	[sflag:s18] =	ssyncadd.s32 $0xFFFFC400  }
0xb5: {  	v1 =	vld [tilespmem:s31+$0x0]  }
0xb6: {  	v7 =	vld [tilespmem:s31+$0xFFFFFFA0]  }
0xb7: {  	v6 =	vld [tilespmem:s31+$0xFFFFFFB0]  }
0xb8: {  	v5 =	vld [tilespmem:s31+$0xFFFFFFC0]  }
0xb9: {  	v4 =	vld [tilespmem:s31+$0xFFFFFFD0]  }
0xba: {  	v3 =	vld [tilespmem:s31+$0xFFFFFFE0]  }
0xbb: {  	v11 =	vld [tilespmem:s31+$0xFFFFFF90];
	_ =	sdelay $0x1  }
0xbc: {  	v2 =	vsub.f32 $1.000000000e+00, v1  }
0xbd: {  	v8 =	vsub.f32 $1.000000000e+00, v7;
	v10 =	vsub.f32 $1.000000000e+00, v6  }
0xbe: {  	v12 =	vsub.f32 $1.000000000e+00, v5;
	v13 =	vsub.f32 $1.000000000e+00, v4  }
0xbf: {  	v14 =	vsub.f32 $1.000000000e+00, v3;
	v16 =	vsub.f32 $1.000000000e+00, v11;
	v9 =	vsub.s32 v1, v2  }
0xc0: {  	v8 =	vsub.s32 v7, v8;
	v10 =	vsub.s32 v6, v10;
	v12 =	vsub.s32 v5, v12  }
0xc1: {  	v13 =	vsub.s32 v4, v13;
	v9 =	vcvt.s32.f32 v9;
	v8 =	vcvt.s32.f32 v8  }
0xc2: {  	v2 =	vld [tilespmem:s31+$0xFFFFFFF0];
	v14 =	vsub.s32 v3, v14;
	v10 =	vcvt.s32.f32 v10;
	v12 =	vcvt.s32.f32 v12  }
0xc3: {  	v16 =	vsub.s32 v11, v16;
	v13 =	vcvt.s32.f32 v13;
	v14 =	vcvt.s32.f32 v14  }
0xc4: {  	v16 =	vcvt.s32.f32 v16;
	v9 =	vmul.f32 $3.305183330e-07, v9  }
0xc5: {  	v8 =	vmul.f32 $3.305183330e-07, v8;
	v10 =	vmul.f32 $3.305183330e-07, v10  }
0xc6: {  	v12 =	vmul.f32 $3.305183330e-07, v12;
	v16 =	vmul.f32 $3.305183330e-07, v16  }
0xc7: {  	v13 =	vmul.f32 $3.305183330e-07, v13;
	v9 =	vadd.f32 $3.725000000e+01, v9;
	v15 =	vsub.f32 $1.000000000e+00, v2  }
0xc8: {  	s0 =	simm.s32 $0x3CF0;
	v14 =	vmul.f32 $3.305183330e-07, v14;
	v8 =	vadd.f32 $3.725000000e+01, v8;
	v10 =	vadd.f32 $3.725000000e+01, v10  }
0xc9: {  	v24 =	vld [tilespmem:s0+$0x0];
	v16 =	vadd.f32 $3.725000000e+01, v16;
	v13 =	vadd.f32 $3.725000000e+01, v13;
	v9 =	vtrunc.f32 v9  }
0xca: {  	v23 =	vld [tilespmem:s0+$0xFFFFFF90];
	v14 =	vadd.f32 $3.725000000e+01, v14;
	v8 =	vtrunc.f32 v8;
	v10 =	vtrunc.f32 v10  }
0xcb: {  	v21 =	vld [tilespmem:s0+$0xFFFFFFA0];
	v16 =	vtrunc.f32 v16;
	v13 =	vtrunc.f32 v13  }
0xcc: {  	v20 =	vld [tilespmem:s0+$0xFFFFFFB0];
	v15 =	vsub.s32 v2, v15;
	v14 =	vtrunc.f32 v14;
	v9 =	vcvt.f32.s32 v9  }
0xcd: {  	v19 =	vld [tilespmem:s0+$0xFFFFFFC0];
	v12 =	vadd.f32 $3.725000000e+01, v12;
	v15 =	vcvt.s32.f32 v15;
	v28 =	vcvt.f32.s32 v13  }
0xce: {  	v25 =	vcvt.f32.s32 v8;
	v8 =	vsub.f32 $1.000000000e+00, v24;
	v29 =	vcvt.f32.s32 v14  }
0xcf: {  	v18 =	vld [tilespmem:s0+$0xFFFFFFD0];
	v60 =	vsub.f32 $1.000000000e+00, v23;
	v16 =	vcvt.f32.s32 v16;
	v15 =	vmul.f32 $3.305183330e-07, v15  }
0xd0: {  	v12 =	vtrunc.f32 v12;
	v26 =	vcvt.f32.s32 v10;
	v8 =	vsub.s32 v24, v8  }
0xd1: {  	v17 =	vld [tilespmem:s0+$0xFFFFFFE0];
	v10 =	vsub.f32 $1.000000000e+00, v21;
	v8 =	vcvt.s32.f32 v8;
	v15 =	vadd.f32 $3.725000000e+01, v15  }
0xd2: {  	v27 =	vcvt.f32.s32 v12;
	v12 =	vsub.f32 $1.000000000e+00, v20;
	v13 =	vsub.f32 $1.000000000e+00, v19;
	v22 =	vld.idx.msk [tilespmem:v9+s13+$0x0], $0xffff  }
0xd3: {  	v10 =	vsub.s32 v21, v10;
	v8 =	vmul.f32 $3.305183330e-07, v8;
	v15 =	vtrunc.f32 v15;
	v61 =	vld.idx.msk [tilespmem:v28+s13+$0x0], $0xffff  }
0xd4: {  	v12 =	vsub.s32 v20, v12;
	v62 =	vld.idx.msk [tilespmem:v29+s13+$0x0], $0xffff;
	v30 =	vcvt.f32.s32 v15;
	v15 =	vsub.f32 $1.000000000e+00, v18  }
0xd5: {  	v13 =	vsub.s32 v19, v13;
	v10 =	vcvt.s32.f32 v10;
	v31 =	vld.idx.msk [tilespmem:v16+s13+$0x0], $0xffff;
	v8 =	vadd.f32 $3.725000000e+01, v8  }
0xd6: {  	v12 =	vcvt.s32.f32 v12;
	v13 =	vcvt.s32.f32 v13;
	v15 =	vsub.s32 v18, v15  }
0xd7: {  	v33 =	vsub.s32 v23, v60;
	v8 =	vtrunc.f32 v8;
	v15 =	vcvt.s32.f32 v15  }
0xd8: {  	v34 =	vcvt.f32.s32 v8;
	v8 =	vcvt.s32.f32 v33;
	vm0 =	vlt.f32 v1, v22  }
0xd9: {  	v22 =	vsub.f32 $1.000000000e+00, v17;
	vm4 =	vlt.f32 v4, v61;
	vm5 =	vlt.f32 v3, v62  }
0xda: {  	v14 =	vsel vm0, $0xFFFFFFFF, v0;
	vm0 =	vlt.f32 v11, v31;
	v11 =	vmul.f32 $3.305183330e-07, v12  }
0xdb: {  	v12 =	vmul.f32 $3.305183330e-07, v13;
	v8 =	vmul.f32 $3.305183330e-07, v8;
	v33 =	vsel vm5, $0xFFFFFFFF, v0  }
0xdc: {  	v1 =	vld [tilespmem:s0+$0xFFFFFFF0];
	v22 =	vsub.s32 v17, v22;
	v35 =	vadd.s32 v14, v9;
	v9 =	vmul.f32 $3.305183330e-07, v10  }
0xdd: {  	v13 =	vld.idx.msk [tilespmem:v26+s13+$0x0], $0xffff;
	v14 =	vmul.f32 $3.305183330e-07, v15;
	v22 =	vcvt.s32.f32 v22;
	v11 =	vadd.f32 $3.725000000e+01, v11  }
0xde: {  	v10 =	vld.idx.msk [tilespmem:v25+s13+$0x0], $0xffff;
	v4 =	vsel vm0, $0xFFFFFFFF, v0;
	v8 =	vadd.f32 $3.725000000e+01, v8;
	v12 =	vadd.f32 $3.725000000e+01, v12  }
0xdf: {  	v63 =	vadd.s32 v4, v16;
	v9 =	vadd.f32 $3.725000000e+01, v9;
	v22 =	vmul.f32 $3.305183330e-07, v22  }
0xe0: {  	s31 =	simm.s32 $0x3D70;
	v15 =	vld.idx.msk [tilespmem:v27+s13+$0x0], $0xffff;
	v14 =	vadd.f32 $3.725000000e+01, v14;
	v11 =	vtrunc.f32 v11;
	v8 =	vtrunc.f32 v8  }
0xe1: {  	v4 =	vld [tilespmem:s31+$0xFFFFFFE0];
	v59 =	vsub.f32 $1.000000000e+00, v1;
	v37 =	vtrunc.f32 v12;
	v9 =	vtrunc.f32 v9  }
0xe2: {  	v36 =	vld.idx.msk [tilespmem:v34+s13+$0x0], $0xffff;
	vm2 =	vlt.f32 v6, v13;
	v12 =	vcvt.f32.s32 v8;
	v11 =	vcvt.f32.s32 v11  }
0xe3: {  	v32 =	vsub.s32 v1, v59;
	vm1 =	vlt.f32 v7, v10;
	v7 =	vtrunc.f32 v14  }
0xe4: {  	v22 =	vadd.f32 $3.725000000e+01, v22;
	v13 =	vcvt.f32.s32 v9;
	v32 =	vcvt.s32.f32 v32  }
0xe5: {  	vm3 =	vlt.f32 v5, v15;
	v10 =	vcvt.f32.s32 v37;
	v15 =	vld [tilespmem:s31+$0x0];
	v8 =	vcvt.f32.s32 v7  }
0xe6: {  	v38 =	vsub.f32 $1.000000000e+00, v4;
	v14 =	vtrunc.f32 v22;
	v31 =	vmul.f32 $3.305183330e-07, v32  }
0xe7: {  	v22 =	vld.idx.msk [tilespmem:v30+s13+$0x0], $0xffff;
	v6 =	vcvt.f32.s32 v14;
	vm6 =	vlt.f32 v24, v36;
	v14 =	vsel vm1, $0xFFFFFFFF, v0  }
0xe8: {  	v9 =	vld [tilespmem:s31+$0xFFFFFFA0];
	v24 =	vsel vm2, $0xFFFFFFFF, v0;
	v32 =	vsel vm4, $0xFFFFFFFF, v0;
	v38 =	vsub.s32 v4, v38  }
0xe9: {  	v7 =	vld [tilespmem:s31+$0xFFFFFFB0];
	v3 =	vsel vm6, $0xFFFFFFFF, v0;
	v38 =	vcvt.s32.f32 v38;
	v31 =	vadd.f32 $3.725000000e+01, v31  }
0xea: {  	v25 =	vadd.s32 v14, v25;
	v24 =	vadd.s32 v24, v26;
	v14 =	vld [tilespmem:s31+$0xFFFFFFF0];
	v16 =	vsub.f32 $1.000000000e+00, v15  }
0xeb: {  	v28 =	vadd.s32 v32, v28;
	v52 =	vld.idx.msk [tilespmem:v12+s13+$0x0], $0xffff;
	v58 =	vmul.f32 $3.305183330e-07, v38;
	v31 =	vtrunc.f32 v31  }
0xec: {  	vm0 =	vlt.f32 v2, v22;
	v22 =	vadd.s32 v3, v34;
	v2 =	vld [tilespmem:s31+$0xFFFFFFD0];
	v48 =	vsub.s32 v15, v16  }
0xed: {  	v16 =	vld [tilespmem:s31+$0xFFFFFF90];
	v5 =	vcvt.f32.s32 v31;
	v31 =	vsel vm3, $0xFFFFFFFF, v0;
	v47 =	vsel vm0, $0xFFFFFFFF, v0  }
0xee: {  	v3 =	vld [tilespmem:s31+$0xFFFFFFC0];
	v32 =	vcvt.s32.f32 v48;
	v26 =	vadd.s32 v31, v27;
	v27 =	vsub.f32 $1.000000000e+00, v9  }
0xef: {  	v35 =	vld.idx.msk [tilespmem:v35+s15+$0x0], $0xffff;
	v31 =	vadd.s32 v33, v29;
	v29 =	vsub.f32 $1.000000000e+00, v7;
	v40 =	vsub.f32 $1.000000000e+00, v14  }
0xf0: {  	v61 =	vld.idx.msk [tilespmem:v28+s15+$0x0], $0xffff;
	v28 =	vadd.f32 $3.725000000e+01, v58;
	v32 =	vmul.f32 $3.305183330e-07, v32;
	v27 =	vsub.s32 v9, v27  }
0xf1: {  	v53 =	vld.idx.msk [tilespmem:v13+s13+$0x0], $0xffff;
	vm0 =	vlt.f32 v23, v52;
	v27 =	vcvt.s32.f32 v27;
	v50 =	vsub.f32 $1.000000000e+00, v2  }
0xf2: {  	v51 =	vld.idx.msk [tilespmem:v22+s15+$0x0], $0xffff;
	v22 =	vsub.s32 v7, v29;
	v32 =	vadd.f32 $3.725000000e+01, v32;
	v42 =	vsub.f32 $1.000000000e+00, v16  }
0xf3: {  	v56 =	vld.idx.msk [tilespmem:v63+s15+$0x0], $0xffff;
	v49 =	vsub.f32 $1.000000000e+00, v3;
	v39 =	vcvt.s32.f32 v22;
	v22 =	vsub.s32 v2, v50  }
0xf4: {  	v41 =	vld.idx.msk [tilespmem:v11+s13+$0x0], $0xffff;
	v32 =	vtrunc.f32 v32;
	v42 =	vsub.s32 v16, v42;
	v27 =	vmul.f32 $3.305183330e-07, v27  }
0xf5: {  	v44 =	vld.idx.msk [tilespmem:v10+s13+$0x0], $0xffff;
	v43 =	vcvt.s32.f32 v22;
	v22 =	vsub.s32 v14, v40;
	v23 =	vcvt.s32.f32 v42  }
0xf6: {  	v25 =	vld.idx.msk [tilespmem:v25+s15+$0x0], $0xffff;
	v29 =	vsub.s32 v3, v49;
	v45 =	vcvt.s32.f32 v22;
	v22 =	vcvt.f32.s32 v32  }
0xf7: {  	v54 =	vld.idx.msk [tilespmem:v8+s13+$0x0], $0xffff;
	vm1 =	vlt.f32 v21, v53;
	v29 =	vcvt.s32.f32 v29;
	v57 =	vmul.f32 $3.305183330e-07, v39  }
0xf8: {  	v24 =	vld.idx.msk [tilespmem:v24+s15+$0x0], $0xffff;
	v21 =	vmul.f32 $3.305183330e-07, v23;
	v23 =	vadd.f32 $3.725000000e+01, v27;
	v27 =	vmul.f32 $3.305183330e-07, v43  }
0xf9: {  	s28 =	simm.s32 $0xC470;
	v30 =	vadd.s32 v47, v30;
	vm2 =	vlt.f32 v20, v41;
	v28 =	vtrunc.f32 v28;
	v26 =	vld.idx.msk [tilespmem:v26+s15+$0x0], $0xffff  }
0xfa: {  	[tilespmem:s28+$0x0] =	vst v35;
	v55 =	vld.idx.msk [tilespmem:v6+s13+$0x0], $0xffff;
	v29 =	vmul.f32 $3.305183330e-07, v29;
	v34 =	vadd.f32 $3.725000000e+01, v57;
	v27 =	vadd.f32 $3.725000000e+01, v27  }
0xfb: {  	[tilespmem:s28+$0xFFFFFFA0] =	vst v25;
	v25 =	vld.idx.msk [tilespmem:v31+s15+$0x0], $0xffff;
	v59 =	vmul.f32 $3.305183330e-07, v45;
	v21 =	vadd.f32 $3.725000000e+01, v21;
	v60 =	vtrunc.f32 v23  }
0xfc: {  	[tilespmem:s28+$0xFFFFFF90] =	vst v56;
	v23 =	vadd.f32 $3.725000000e+01, v29;
	v34 =	vtrunc.f32 v34;
	v63 =	vtrunc.f32 v27;
	v27 =	vld.idx.msk [tilespmem:v22+s13+$0x0], $0xffff  }
0xfd: {  	[tilespmem:s28+$0xFFFFFFB0] =	vst v24;
	v38 =	vadd.f32 $3.725000000e+01, v59;
	v24 =	vcvt.f32.s32 v60;
	v29 =	vtrunc.f32 v21;
	v21 =	vld.idx.msk [tilespmem:v5+s13+$0x0], $0xffff  }
0xfe: {  	vm3 =	vlt.f32 v19, v44;
	[tilespmem:s28+$0xFFFFFFC0] =	vst v26;
	v26 =	vld.idx.msk [tilespmem:v30+s15+$0x0], $0xffff;
	v19 =	vcvt.f32.s32 v34;
	v62 =	vtrunc.f32 v23  }
0xff: {  	s26 =	simm.s32 $0xC4F0;
	vm4 =	vlt.f32 v18, v54;
	[tilespmem:s28+$0xFFFFFFD0] =	vst v61;
	v23 =	vcvt.f32.s32 v29;
	v29 =	vtrunc.f32 v38  }
0x100: {  	s29 =	simm.s32 $0x3D00;
	s30 =	simm.s32 $0x3DF0;
	vm5 =	vlt.f32 v17, v55;
	[tilespmem:s26+$0x0] =	vst v51;
	v20 =	vcvt.f32.s32 v62;
	v18 =	vcvt.f32.s32 v63  }
.LBB2_4:
0x101: {  	s29 =	sadd.s32 $0x80, s29;
	v17 =	vcvt.f32.s32 v28;
	v28 =	vcvt.f32.s32 v29;
	vm6 =	vlt.f32 v15, v27;
	v15 =	vld [tilespmem:s30+$0x0]  }
0x102: {  	v30 =	vsel vm0, $0xFFFFFFFF, v0;
	vm0 =	vlt.f32 v1, v21;
	v1 =	vmovc v14;
	v27 =	vld [tilespmem:s30+$0xFFFFFFA0];
	p1 =	slt.u32 s29, $0x7780;
	v29 =	vsel vm6, $0xFFFFFFFF, v0;
	[tilespmem:s28+$0xFFFFFFE0] =	vst v25  }
0x103: {  	v14 =	vsel vm1, $0xFFFFFFFF, v0;
	v31 =	vld [tilespmem:s30+$0xFFFFFFB0];
	v21 =	vadd.s32 v29, v22;
	v22 =	vsel vm2, $0xFFFFFFFF, v0;
	[tilespmem:s28+$0xFFFFFFF0] =	vst v26;
	s28 =	smov.u32 s26  }
0x104: {  	v25 =	vsel vm3, $0xFFFFFFFF, v0;
	v26 =	vsel vm4, $0xFFFFFFFF, v0;
	v29 =	vsel vm5, $0xFFFFFFFF, v0;
	v32 =	vld [tilespmem:s30+$0xFFFFFFC0]  }
0x105: {  	v30 =	vadd.s32 v30, v12;
	v34 =	vadd.s32 v14, v13;
	v35 =	vsel vm0, $0xFFFFFFFF, v0;
	v12 =	vmovc v23;
	v13 =	vmovc v24;
	v33 =	vld [tilespmem:s30+$0xFFFFFFD0]  }
0x106: {  	v25 =	vadd.s32 v25, v10;
	v10 =	vmovc v20;
	v24 =	vadd.s32 v22, v11;
	v11 =	vmovc v19;
	v36 =	vld [tilespmem:s30+$0xFFFFFFE0];
	v23 =	vsub.f32 $1.000000000e+00, v15  }
0x107: {  	v20 =	vadd.s32 v26, v8;
	v26 =	vadd.s32 v29, v6;
	v6 =	vmovc v17;
	v8 =	vmovc v18;
	v19 =	vsub.f32 $1.000000000e+00, v27;
	v14 =	vld [tilespmem:s30+$0xFFFFFFF0]  }
0x108: {  	v17 =	vsub.f32 $1.000000000e+00, v31;
	v18 =	vsub.s32 v15, v23;
	v21 =	vld.idx.msk [tilespmem:v21+s15+$0x0], $0xffff;
	v23 =	vadd.s32 v35, v5;
	v5 =	vmovc v28  }
0x109: {  	v28 =	vld [tilespmem:s30+$0xFFFFFF90];
	v19 =	vsub.s32 v27, v19;
	v22 =	vsub.f32 $1.000000000e+00, v32;
	v18 =	vcvt.s32.f32 v18  }
0x10a: {  	v19 =	vcvt.s32.f32 v19;
	v17 =	vsub.s32 v31, v17;
	v29 =	vsub.f32 $1.000000000e+00, v33;
	v35 =	vld.idx.msk [tilespmem:v12+s13+$0x0], $0xffff  }
0x10b: {  	v22 =	vsub.s32 v32, v22;
	v37 =	vsub.f32 $1.000000000e+00, v36;
	v18 =	vmul.f32 $3.305183330e-07, v18;
	v38 =	vld.idx.msk [tilespmem:v13+s13+$0x0], $0xffff  }
0x10c: {  	v17 =	vcvt.s32.f32 v17;
	v29 =	vsub.s32 v33, v29;
	v39 =	vsub.f32 $1.000000000e+00, v14;
	v40 =	vld.idx.msk [tilespmem:v11+s13+$0x0], $0xffff  }
0x10d: {  	s26 =	sadd.s32 $0x80, s26;
	v41 =	vcvt.s32.f32 v22;
	v22 =	vsub.s32 v36, v37;
	v18 =	vadd.f32 $3.725000000e+01, v18;
	v37 =	vld.idx.msk [tilespmem:v10+s13+$0x0], $0xffff  }
0x10e: {  	v29 =	vcvt.s32.f32 v29;
	v42 =	vsub.f32 $1.000000000e+00, v28;
	v39 =	vsub.s32 v14, v39;
	v43 =	vld.idx.msk [tilespmem:v8+s13+$0x0], $0xffff;
	[tilespmem:s26+$0x0] =	vst v21  }
0x10f: {  	v44 =	vcvt.s32.f32 v22;
	v18 =	vtrunc.f32 v18;
	v45 =	vld.idx.msk [tilespmem:v6+s13+$0x0], $0xffff  }
0x110: {  	v39 =	vcvt.s32.f32 v39;
	v42 =	vsub.s32 v28, v42;
	v22 =	vcvt.f32.s32 v18;
	v21 =	vld.idx.msk [tilespmem:v5+s13+$0x0], $0xffff  }
0x111: {  	v19 =	vmul.f32 $3.305183330e-07, v19;
	vm0 =	vlt.f32 v16, v35;
	v16 =	vmovc v28;
	v18 =	vcvt.s32.f32 v42;
	v30 =	vld.idx.msk [tilespmem:v30+s15+$0x0], $0xffff  }
0x112: {  	v17 =	vmul.f32 $3.305183330e-07, v17;
	v28 =	vmul.f32 $3.305183330e-07, v41;
	vm1 =	vlt.f32 v9, v38;
	v9 =	vmovc v27;
	v34 =	vld.idx.msk [tilespmem:v34+s15+$0x0], $0xffff  }
0x113: {  	v19 =	vadd.f32 $3.725000000e+01, v19;
	v27 =	vmul.f32 $3.305183330e-07, v29;
	v18 =	vmul.f32 $3.305183330e-07, v18;
	v24 =	vld.idx.msk [tilespmem:v24+s15+$0x0], $0xffff  }
0x114: {  	v17 =	vadd.f32 $3.725000000e+01, v17;
	v29 =	vmul.f32 $3.305183330e-07, v44;
	v35 =	vmul.f32 $3.305183330e-07, v39;
	v38 =	vld.idx.msk [tilespmem:v25+s15+$0x0], $0xffff  }
0x115: {  	v19 =	vtrunc.f32 v19;
	v25 =	vadd.f32 $3.725000000e+01, v28;
	v18 =	vadd.f32 $3.725000000e+01, v18;
	v39 =	vld.idx.msk [tilespmem:v20+s15+$0x0], $0xffff  }
0x116: {  	v17 =	vtrunc.f32 v17;
	v28 =	vadd.f32 $3.725000000e+01, v29;
	v20 =	vadd.f32 $3.725000000e+01, v27;
	v27 =	vld.idx.msk [tilespmem:v22+s13+$0x0], $0xffff  }
.Ltmp3:
0x117: {  	v29 =	vadd.f32 $3.725000000e+01, v35;
	v41 =	vtrunc.f32 v25;
	v18 =	vtrunc.f32 v18;
	[tilespmem:s28+$0xFFFFFF90] =	vst v30;
	v25 =	vld.idx.msk [tilespmem:v26+s15+$0x0], $0xffff;
	(pc) =	sbr.rel @p1 .LBB2_4-.Ltmp3, $4  }
0x118: {  	vm2 =	vlt.f32 v7, v40;
	v7 =	vmovc v31;
	v28 =	vtrunc.f32 v28;
	v30 =	vtrunc.f32 v20;
	[tilespmem:s28+$0xFFFFFFA0] =	vst v34;
	v26 =	vld.idx.msk [tilespmem:v23+s15+$0x0], $0xffff  }
0x119: {  	vm3 =	vlt.f32 v3, v37;
	v3 =	vmovc v32;
	v29 =	vtrunc.f32 v29;
	v23 =	vcvt.f32.s32 v18;
	[tilespmem:s28+$0xFFFFFFB0] =	vst v24  }
0x11a: {  	vm4 =	vlt.f32 v2, v43;
	v2 =	vmovc v33;
	v24 =	vcvt.f32.s32 v19;
	v19 =	vcvt.f32.s32 v17;
	[tilespmem:s28+$0xFFFFFFC0] =	vst v38  }
0x11b: {  	s30 =	sadd.s32 $0x80, s30;
	vm5 =	vlt.f32 v4, v45;
	v4 =	vmovc v36;
	v20 =	vcvt.f32.s32 v41;
	v18 =	vcvt.f32.s32 v30;
	[tilespmem:s28+$0xFFFFFFD0] =	vst v39  }
0x11c: {  	_ =	sdelay $0x2  }
0x11d: {  	v17 =	vcvt.f32.s32 v28  }
0x11e: {  	v45 =	vcvt.f32.s32 v29;
	v46 =	vld.idx.msk [tilespmem:v23+s13+$0x0], $0xffff  }
0x11f: {  	v47 =	vsel vm0, $0xFFFFFFFF, v0;
	v48 =	vld.idx.msk [tilespmem:v24+s13+$0x0], $0xffff  }
0x120: {  	v30 =	vsel vm1, $0xFFFFFFFF, v0;
	v49 =	vld.idx.msk [tilespmem:v19+s13+$0x0], $0xffff;
	v12 =	vadd.s32 v47, v12  }
0x121: {  	v31 =	vsel vm2, $0xFFFFFFFF, v0;
	v13 =	vadd.s32 v30, v13;
	v50 =	vld.idx.msk [tilespmem:v20+s13+$0x0], $0xffff  }
0x122: {  	v32 =	vsel vm3, $0xFFFFFFFF, v0;
	v11 =	vadd.s32 v31, v11;
	v51 =	vld.idx.msk [tilespmem:v18+s13+$0x0], $0xffff  }
0x123: {  	vm6 =	vlt.f32 v15, v27;
	v33 =	vsel vm4, $0xFFFFFFFF, v0;
	v10 =	vadd.s32 v32, v10;
	v52 =	vld.idx.msk [tilespmem:v17+s13+$0x0], $0xffff  }
0x124: {  	vm8 =	vlt.f32 v1, v21;
	v1 =	vsel vm5, $0xFFFFFFFF, v0;
	v8 =	vadd.s32 v33, v8;
	v53 =	vld.idx.msk [tilespmem:v45+s13+$0x0], $0xffff  }
0x125: {  	v15 =	vsel vm6, $0xFFFFFFFF, v0;
	v1 =	vadd.s32 v1, v6;
	v12 =	vld.idx.msk [tilespmem:v12+s15+$0x0], $0xffff  }
0x126: {  	v54 =	vsel vm8, $0xFFFFFFFF, v0;
	v15 =	vadd.s32 v15, v22;
	vm9 =	vlt.f32 v16, v46;
	v55 =	vld.idx.msk [tilespmem:v13+s15+$0x0], $0xffff  }
0x127: {  	v5 =	vadd.s32 v54, v5;
	vm10 =	vlt.f32 v9, v48;
	v56 =	vsel vm9, $0xFFFFFFFF, v0;
	v11 =	vld.idx.msk [tilespmem:v11+s15+$0x0], $0xffff  }
0x128: {  	[tilespmem:s28+$0xFFFFFFE0] =	vst v25;
	vm11 =	vlt.f32 v7, v49;
	v57 =	vsel vm10, $0xFFFFFFFF, v0;
	v10 =	vld.idx.msk [tilespmem:v10+s15+$0x0], $0xffff;
	v9 =	vadd.s32 v56, v23  }
0x129: {  	[tilespmem:s28+$0xFFFFFFF0] =	vst v26;
	vm12 =	vlt.f32 v3, v50;
	v3 =	vsel vm11, $0xFFFFFFFF, v0;
	v8 =	vld.idx.msk [tilespmem:v8+s15+$0x0], $0xffff;
	v7 =	vadd.s32 v57, v24  }
0x12a: {  	vm13 =	vlt.f32 v2, v51;
	v1 =	vld.idx.msk [tilespmem:v1+s15+$0x0], $0xffff;
	v2 =	vsel vm12, $0xFFFFFFFF, v0;
	v3 =	vadd.s32 v3, v19;
	[tilespmem:s26+$0xFFFFFF90] =	vst v12  }
0x12b: {  	v15 =	vld.idx.msk [tilespmem:v15+s15+$0x0], $0xffff;
	v58 =	vsel vm13, $0xFFFFFFFF, v0;
	v2 =	vadd.s32 v2, v20;
	vm14 =	vlt.f32 v4, v52;
	[tilespmem:s26+$0xFFFFFFA0] =	vst v55  }
0x12c: {  	v5 =	vld.idx.msk [tilespmem:v5+s15+$0x0], $0xffff;
	vm15 =	vlt.f32 v14, v53;
	v4 =	vadd.s32 v58, v18;
	[tilespmem:s26+$0xFFFFFFB0] =	vst v11;
	v59 =	vsel vm14, $0xFFFFFFFF, v0  }
0x12d: {  	[tilespmem:s26+$0xFFFFFFC0] =	vst v10;
	v60 =	vsel vm15, $0xFFFFFFFF, v0;
	v9 =	vld.idx.msk [tilespmem:v9+s15+$0x0], $0xffff;
	v6 =	vadd.s32 v59, v17  }
0x12e: {  	[tilespmem:s26+$0xFFFFFFD0] =	vst v8;
	v7 =	vld.idx.msk [tilespmem:v7+s15+$0x0], $0xffff;
	v61 =	vadd.s32 v60, v45  }
0x12f: {  	s31 =	sadd.s32 $0x80, s26;
	[tilespmem:s26+$0xFFFFFFE0] =	vst v1;
	v3 =	vld.idx.msk [tilespmem:v3+s15+$0x0], $0xffff  }
0x130: {  	[tilespmem:s31+$0x0] =	vst v15;
	v1 =	vld.idx.msk [tilespmem:v2+s15+$0x0], $0xffff  }
0x131: {  	[tilespmem:s26+$0xFFFFFFF0] =	vst v5;
	v2 =	vld.idx.msk [tilespmem:v4+s15+$0x0], $0xffff  }
0x132: {  	[tilespmem:s31+$0xFFFFFF90] =	vst v9;
	v62 =	vld.idx.msk [tilespmem:v6+s15+$0x0], $0xffff  }
0x133: {  	[tilespmem:s31+$0xFFFFFFA0] =	vst v7;
	v63 =	vld.idx.msk [tilespmem:v61+s15+$0x0], $0xffff  }
0x134: {  	[tilespmem:s31+$0xFFFFFFB0] =	vst v3  }
.Ltmp4:
0x135: {  	[tilespmem:s31+$0xFFFFFFC0] =	vst v1;
	(pc) =	sbr.rel @p0 .LBB2_9-.Ltmp4, $4  }
0x136: {  	[tilespmem:s31+$0xFFFFFFD0] =	vst v2  }
0x137: {  	[tilespmem:s31+$0xFFFFFFE0] =	vst v62  }
0x138: {  	[tilespmem:s31+$0xFFFFFFF0] =	vst v63  }
0x139: {  	[hbm4b:s9+s2] =	stream.linear.scatter [tilespmem:s19], [sflag:$0x5], $0x3C00, $0x38;
	[tilespmem:$0x11100] =	vst v63  }
0x13a: {  	_ =	swait.ge [sflag:s22], $0x1000  }
0x13b: {  	[sflag:s22] =	ssyncset.done $0x0  }
0x13c: {  	s26 =	simm.s32 $0x0;
	[sflag:s22] =	ssyncadd.s32 $0xFFFFF000  }
0x13d: {  	v1 =	vld [tilespmem:s26+$0x7870]  }
0x13e: {  	v9 =	vld [tilespmem:s26+$0x7800]  }
0x13f: {  	v8 =	vld [tilespmem:s26+$0x7810]  }
0x140: {  	v7 =	vld [tilespmem:s26+$0x7820]  }
0x141: {  	v5 =	vld [tilespmem:s26+$0x7830];
	_ =	sdelay $0x2  }
0x142: {  	v2 =	vsub.f32 $1.000000000e+00, v1  }
0x143: {  	v4 =	vld [tilespmem:s26+$0x7840];
	v6 =	vsub.f32 $1.000000000e+00, v9;
	v10 =	vsub.f32 $1.000000000e+00, v8  }
0x144: {  	v3 =	vld [tilespmem:s26+$0x7850];
	v12 =	vsub.f32 $1.000000000e+00, v7;
	v13 =	vsub.f32 $1.000000000e+00, v5  }
0x145: {  	v2 =	vsub.s32 v1, v2;
	v11 =	vsub.s32 v9, v6;
	v10 =	vsub.s32 v8, v10  }
0x146: {  	v12 =	vsub.s32 v7, v12;
	v2 =	vcvt.s32.f32 v2;
	v11 =	vcvt.s32.f32 v11  }
0x147: {  	v13 =	vsub.s32 v5, v13;
	v10 =	vcvt.s32.f32 v10;
	v12 =	vcvt.s32.f32 v12  }
0x148: {  	v14 =	vsub.f32 $1.000000000e+00, v4;
	v13 =	vcvt.s32.f32 v13;
	v2 =	vmul.f32 $3.305183330e-07, v2  }
0x149: {  	v15 =	vsub.f32 $1.000000000e+00, v3;
	v6 =	vld [tilespmem:s26+$0x7860];
	v11 =	vmul.f32 $3.305183330e-07, v11;
	v10 =	vmul.f32 $3.305183330e-07, v10  }
0x14a: {  	v12 =	vmul.f32 $3.305183330e-07, v12;
	v13 =	vmul.f32 $3.305183330e-07, v13;
	v2 =	vadd.f32 $3.725000000e+01, v2  }
0x14b: {  	s28 =	simm.s32 $0x80;
	v11 =	vadd.f32 $3.725000000e+01, v11;
	v10 =	vadd.f32 $3.725000000e+01, v10  }
0x14c: {  	v22 =	vld [tilespmem:s28+$0x7800];
	v12 =	vadd.f32 $3.725000000e+01, v12;
	v13 =	vadd.f32 $3.725000000e+01, v13;
	v2 =	vtrunc.f32 v2  }
0x14d: {  	v20 =	vld [tilespmem:s28+$0x7820];
	v14 =	vsub.s32 v4, v14;
	v11 =	vtrunc.f32 v11;
	v10 =	vtrunc.f32 v10  }
0x14e: {  	v16 =	vsub.f32 $1.000000000e+00, v6;
	v12 =	vtrunc.f32 v12;
	v13 =	vtrunc.f32 v13  }
0x14f: {  	v15 =	vsub.s32 v3, v15;
	v17 =	vcvt.f32.s32 v2;
	v2 =	vcvt.s32.f32 v14  }
0x150: {  	v14 =	vcvt.s32.f32 v15;
	v15 =	vsub.s32 v6, v16;
	v24 =	vcvt.f32.s32 v11  }
0x151: {  	v25 =	vcvt.f32.s32 v10;
	v26 =	vcvt.f32.s32 v12;
	v10 =	vsub.f32 $1.000000000e+00, v22  }
0x152: {  	v27 =	vcvt.f32.s32 v13;
	v13 =	vsub.f32 $1.000000000e+00, v20;
	v15 =	vcvt.s32.f32 v15  }
0x153: {  	v23 =	vld [tilespmem:s28+$0x7870];
	v2 =	vmul.f32 $3.305183330e-07, v2;
	v14 =	vmul.f32 $3.305183330e-07, v14;
	v10 =	vsub.s32 v22, v10  }
0x154: {  	v19 =	vld [tilespmem:s28+$0x7830];
	v15 =	vmul.f32 $3.305183330e-07, v15;
	v10 =	vcvt.s32.f32 v10  }
0x155: {  	v21 =	vld [tilespmem:s28+$0x7810];
	v13 =	vsub.s32 v20, v13;
	v2 =	vadd.f32 $3.725000000e+01, v2;
	v14 =	vadd.f32 $3.725000000e+01, v14  }
0x156: {  	v13 =	vcvt.s32.f32 v13;
	v15 =	vadd.f32 $3.725000000e+01, v15;
	v10 =	vmul.f32 $3.305183330e-07, v10  }
0x157: {  	v16 =	vld.idx.msk [tilespmem:v17+s13+$0x0], $0xffff;
	v2 =	vtrunc.f32 v2;
	v14 =	vtrunc.f32 v14  }
0x158: {  	v18 =	vld [tilespmem:s28+$0x7840];
	v11 =	vtrunc.f32 v15;
	v28 =	vcvt.f32.s32 v2;
	v2 =	vsub.f32 $1.000000000e+00, v23  }
0x159: {  	v31 =	vld.idx.msk [tilespmem:v24+s13+$0x0], $0xffff;
	v29 =	vcvt.f32.s32 v14;
	v15 =	vsub.f32 $1.000000000e+00, v19;
	v10 =	vadd.f32 $3.725000000e+01, v10  }
0x15a: {  	v30 =	vcvt.f32.s32 v11;
	v11 =	vsub.f32 $1.000000000e+00, v21;
	v12 =	vsub.s32 v23, v2  }
0x15b: {  	v2 =	vld [tilespmem:s28+$0x7860];
	v15 =	vsub.s32 v19, v15;
	v10 =	vtrunc.f32 v10;
	v12 =	vcvt.s32.f32 v12  }
0x15c: {  	v11 =	vsub.s32 v21, v11;
	v15 =	vcvt.s32.f32 v15;
	vm0 =	vlt.f32 v1, v16  }
0x15d: {  	v1 =	vld [tilespmem:s28+$0x7850];
	v16 =	vsub.f32 $1.000000000e+00, v18;
	v11 =	vcvt.s32.f32 v11;
	v14 =	vsel vm0, $0xFFFFFFFF, v0  }
0x15e: {  	v12 =	vmul.f32 $3.305183330e-07, v12;
	vm0 =	vlt.f32 v9, v31;
	v15 =	vmul.f32 $3.305183330e-07, v15  }
0x15f: {  	v16 =	vsub.s32 v18, v16;
	v35 =	vadd.s32 v14, v17;
	v14 =	vld.idx.msk [tilespmem:v25+s13+$0x0], $0xffff;
	v9 =	vmul.f32 $3.305183330e-07, v11  }
0x160: {  	v11 =	vmul.f32 $3.305183330e-07, v13;
	v13 =	vld.idx.msk [tilespmem:v26+s13+$0x0], $0xffff;
	v12 =	vadd.f32 $3.725000000e+01, v12;
	v33 =	vsub.f32 $1.000000000e+00, v2  }
0x161: {  	v17 =	vld.idx.msk [tilespmem:v27+s13+$0x0], $0xffff;
	v16 =	vcvt.s32.f32 v16;
	v15 =	vadd.f32 $3.725000000e+01, v15;
	v9 =	vadd.f32 $3.725000000e+01, v9  }
0x162: {  	v44 =	vld.idx.msk [tilespmem:v28+s13+$0x0], $0xffff;
	v11 =	vadd.f32 $3.725000000e+01, v11;
	v32 =	vsub.f32 $1.000000000e+00, v1;
	v12 =	vtrunc.f32 v12  }
0x163: {  	v45 =	vld.idx.msk [tilespmem:v29+s13+$0x0], $0xffff;
	v33 =	vsub.s32 v2, v33;
	v16 =	vmul.f32 $3.305183330e-07, v16;
	v15 =	vtrunc.f32 v15  }
0x164: {  	v34 =	vcvt.f32.s32 v12;
	v12 =	vcvt.s32.f32 v33  }
0x165: {  	v9 =	vtrunc.f32 v9;
	v11 =	vtrunc.f32 v11;
	v32 =	vsub.s32 v1, v32  }
0x166: {  	v16 =	vadd.f32 $3.725000000e+01, v16;
	vm1 =	vlt.f32 v8, v14;
	vm2 =	vlt.f32 v7, v13  }
0x167: {  	v37 =	vld.idx.msk [tilespmem:v30+s13+$0x0], $0xffff;
	v13 =	vcvt.f32.s32 v10;
	vm3 =	vlt.f32 v5, v17;
	v14 =	vcvt.f32.s32 v9  }
0x168: {  	vm4 =	vlt.f32 v4, v44;
	v8 =	vcvt.f32.s32 v15;
	vm5 =	vlt.f32 v3, v45  }
0x169: {  	s29 =	simm.s32 $0x100;
	v32 =	vcvt.s32.f32 v32;
	v12 =	vmul.f32 $3.305183330e-07, v12;
	v17 =	vsel vm2, $0xFFFFFFFF, v0  }
0x16a: {  	v15 =	vld [tilespmem:s29+$0x7870];
	v33 =	vsel vm5, $0xFFFFFFFF, v0;
	v16 =	vtrunc.f32 v16;
	v26 =	vadd.s32 v17, v26  }
0x16b: {  	v9 =	vld [tilespmem:s29+$0x7810];
	v48 =	vadd.s32 v33, v29;
	v31 =	vmul.f32 $3.305183330e-07, v32;
	v12 =	vadd.f32 $3.725000000e+01, v12  }
0x16c: {  	v4 =	vcvt.f32.s32 v16;
	v16 =	vsel vm0, $0xFFFFFFFF, v0;
	vm0 =	vlt.f32 v6, v37;
	v36 =	vld.idx.msk [tilespmem:v34+s13+$0x0], $0xffff  }
0x16d: {  	v31 =	vadd.f32 $3.725000000e+01, v31;
	v7 =	vtrunc.f32 v12;
	v12 =	vcvt.f32.s32 v11;
	v11 =	vld [tilespmem:s29+$0x7800]  }
0x16e: {  	v32 =	vsel vm4, $0xFFFFFFFF, v0;
	v24 =	vadd.s32 v16, v24;
	v46 =	vsel vm0, $0xFFFFFFFF, v0;
	v16 =	vld [tilespmem:s29+$0x7850]  }
0x16f: {  	v10 =	vld [tilespmem:s29+$0x7820];
	v28 =	vadd.s32 v32, v28;
	v47 =	vsub.f32 $1.000000000e+00, v15;
	v31 =	vtrunc.f32 v31  }
0x170: {  	v29 =	vsub.f32 $1.000000000e+00, v9;
	v5 =	vcvt.f32.s32 v31;
	v31 =	vsel vm3, $0xFFFFFFFF, v0  }
0x171: {  	v6 =	vld [tilespmem:s29+$0x7830];
	v3 =	vcvt.f32.s32 v7;
	v27 =	vadd.s32 v31, v27;
	vm6 =	vlt.f32 v23, v36  }
0x172: {  	v53 =	vld.idx.msk [tilespmem:v13+s13+$0x0], $0xffff;
	v31 =	vsub.s32 v15, v47;
	v17 =	vsub.f32 $1.000000000e+00, v11;
	v7 =	vsel vm6, $0xFFFFFFFF, v0  }
0x173: {  	v35 =	vld.idx.msk [tilespmem:v35+s15+$0x0], $0xffff;
	v40 =	vsub.f32 $1.000000000e+00, v16;
	v31 =	vcvt.s32.f32 v31;
	v23 =	vadd.s32 v7, v34  }
0x174: {  	v50 =	vsub.f32 $1.000000000e+00, v10;
	v7 =	vsel vm1, $0xFFFFFFFF, v0;
	v49 =	vsub.s32 v11, v17;
	v17 =	vld [tilespmem:s29+$0x7860]  }
0x175: {  	v40 =	vsub.s32 v16, v40;
	v31 =	vmul.f32 $3.305183330e-07, v31;
	v25 =	vadd.s32 v7, v25;
	v7 =	vld [tilespmem:s29+$0x7840]  }
0x176: {  	v54 =	vld.idx.msk [tilespmem:v14+s13+$0x0], $0xffff;
	v34 =	vadd.s32 v46, v30;
	v40 =	vcvt.s32.f32 v40;
	v30 =	vcvt.s32.f32 v49  }
0x177: {  	v51 =	vsub.f32 $1.000000000e+00, v6;
	v41 =	vld.idx.msk [tilespmem:v12+s13+$0x0], $0xffff;
	vm0 =	vlt.f32 v22, v53;
	v31 =	vadd.f32 $3.725000000e+01, v31  }
0x178: {  	v58 =	vmul.f32 $3.305183330e-07, v40;
	v30 =	vmul.f32 $3.305183330e-07, v30;
	v52 =	vld.idx.msk [tilespmem:v23+s15+$0x0], $0xffff;
	v23 =	vsub.s32 v9, v29  }
0x179: {  	v43 =	vld.idx.msk [tilespmem:v8+s13+$0x0], $0xffff;
	v29 =	vsub.s32 v10, v50;
	v39 =	vcvt.s32.f32 v23;
	v23 =	vsub.s32 v6, v51  }
0x17a: {  	v57 =	vld.idx.msk [tilespmem:v26+s15+$0x0], $0xffff;
	v38 =	vsub.f32 $1.000000000e+00, v7;
	v42 =	vcvt.s32.f32 v23;
	v23 =	vsub.f32 $1.000000000e+00, v17  }
0x17b: {  	v44 =	vld.idx.msk [tilespmem:v4+s13+$0x0], $0xffff;
	vm1 =	vlt.f32 v21, v54;
	v31 =	vtrunc.f32 v31;
	v29 =	vcvt.s32.f32 v29  }
0x17c: {  	v24 =	vld.idx.msk [tilespmem:v24+s15+$0x0], $0xffff;
	v38 =	vsub.s32 v7, v38;
	v45 =	vsub.s32 v17, v23;
	v23 =	vcvt.f32.s32 v31  }
0x17d: {  	v59 =	vld.idx.msk [tilespmem:v27+s15+$0x0], $0xffff;
	vm2 =	vlt.f32 v20, v41;
	v55 =	vmul.f32 $3.305183330e-07, v39;
	v38 =	vcvt.s32.f32 v38  }
0x17e: {  	v21 =	vadd.f32 $3.725000000e+01, v30;
	v56 =	vld.idx.msk [tilespmem:v25+s15+$0x0], $0xffff;
	v29 =	vmul.f32 $3.305183330e-07, v29;
	v25 =	vmul.f32 $3.305183330e-07, v42  }
0x17f: {  	v22 =	vld.idx.msk [tilespmem:v5+s13+$0x0], $0xffff;
	v31 =	vcvt.s32.f32 v45;
	v26 =	vadd.f32 $3.725000000e+01, v55;
	v30 =	vmul.f32 $3.305183330e-07, v38  }
0x180: {  	[tilespmem:s26+$0x10070] =	vst v35;
	v27 =	vtrunc.f32 v21;
	v21 =	vld.idx.msk [tilespmem:v3+s13+$0x0], $0xffff;
	v29 =	vadd.f32 $3.725000000e+01, v29;
	v60 =	vadd.f32 $3.725000000e+01, v25  }
0x181: {  	[tilespmem:s26+$0x10020] =	vst v57;
	v25 =	vld.idx.msk [tilespmem:v28+s15+$0x0], $0xffff;
	v31 =	vmul.f32 $3.305183330e-07, v31;
	v61 =	vtrunc.f32 v26;
	v26 =	vadd.f32 $3.725000000e+01, v30  }
0x182: {  	[tilespmem:s26+$0x10000] =	vst v24;
	v20 =	vcvt.f32.s32 v27;
	v62 =	vtrunc.f32 v29;
	v30 =	vadd.f32 $3.725000000e+01, v58;
	v28 =	vld.idx.msk [tilespmem:v23+s13+$0x0], $0xffff  }
0x183: {  	[tilespmem:s26+$0x10030] =	vst v59;
	v29 =	vtrunc.f32 v60;
	v63 =	vadd.f32 $3.725000000e+01, v31;
	v31 =	vtrunc.f32 v26;
	v26 =	vld.idx.msk [tilespmem:v48+s15+$0x0], $0xffff  }
0x184: {  	vm3 =	vlt.f32 v19, v43;
	v27 =	vld.idx.msk [tilespmem:v34+s15+$0x0], $0xffff;
	[tilespmem:s28+$0x10070] =	vst v52;
	v24 =	vcvt.f32.s32 v61;
	v19 =	vcvt.f32.s32 v62  }
0x185: {  	s30 =	simm.s32 $0x7900;
	s31 =	simm.s32 $0x600;
	vm4 =	vlt.f32 v18, v44;
	[tilespmem:s26+$0x10010] =	vst v56;
	v30 =	vtrunc.f32 v30;
	v32 =	vtrunc.f32 v63  }
.LBB2_7:
0x186: {  	s0 =	sshra.s32 s31, $0x2;
	s30 =	sadd.s32 $0x80, s30;
	v18 =	vcvt.f32.s32 v29;
	v29 =	vcvt.f32.s32 v31;
	vm5 =	vlt.f32 v1, v22;
	[tilespmem:s26+$0x10040] =	vst v25;
	v1 =	vmovc v16  }
0x187: {  	v22 =	vcvt.f32.s32 v30;
	v25 =	vcvt.f32.s32 v32;
	vm6 =	vlt.f32 v15, v28;
	p1 =	slt.u32 s30, $0x8780;
	v15 =	vld [tilespmem:s0+$0x7870]  }
0x188: {  	v30 =	vsel vm0, $0xFFFFFFFF, v0;
	vm0 =	vlt.f32 v2, v21;
	v2 =	vmovc v17;
	v16 =	vsel vm6, $0xFFFFFFFF, v0;
	v28 =	vld [tilespmem:s0+$0x7800];
	[tilespmem:s26+$0x10050] =	vst v26  }
0x189: {  	v21 =	vsel vm2, $0xFFFFFFFF, v0;
	v17 =	vadd.s32 v16, v23;
	v16 =	vsel vm1, $0xFFFFFFFF, v0;
	v26 =	vld [tilespmem:s0+$0x7810];
	[tilespmem:s26+$0x10060] =	vst v27;
	s26 =	smov.u32 s28;
	s28 =	smov.u32 s29;
	s29 =	smov.u32 s0  }
0x18a: {  	v31 =	vsel vm5, $0xFFFFFFFF, v0;
	v23 =	vsel vm3, $0xFFFFFFFF, v0;
	v27 =	vsel vm4, $0xFFFFFFFF, v0;
	v32 =	vld [tilespmem:s29+$0x7820]  }
0x18b: {  	v30 =	vadd.s32 v30, v13;
	v35 =	vsel vm0, $0xFFFFFFFF, v0;
	v13 =	vmovc v20;
	v34 =	vadd.s32 v16, v14;
	v14 =	vmovc v24;
	v33 =	vld [tilespmem:s29+$0x7830]  }
0x18c: {  	v24 =	vadd.s32 v21, v12;
	v37 =	vadd.s32 v23, v8;
	v8 =	vmovc v18;
	v12 =	vmovc v19;
	v36 =	vld [tilespmem:s29+$0x7840];
	v20 =	vsub.f32 $1.000000000e+00, v15  }
0x18d: {  	v19 =	vadd.s32 v27, v4;
	v27 =	vadd.s32 v31, v5;
	v4 =	vmovc v29;
	v5 =	vmovc v22;
	v18 =	vsub.f32 $1.000000000e+00, v28;
	v16 =	vld [tilespmem:s29+$0x7850]  }
0x18e: {  	v35 =	vadd.s32 v35, v3;
	v3 =	vmovc v25;
	v21 =	vsub.f32 $1.000000000e+00, v26;
	v20 =	vsub.s32 v15, v20;
	v22 =	vld.idx.msk [tilespmem:v17+s15+$0x0], $0xffff  }
0x18f: {  	v18 =	vsub.s32 v28, v18;
	v23 =	vsub.f32 $1.000000000e+00, v32;
	v17 =	vld [tilespmem:s29+$0x7860];
	v20 =	vcvt.s32.f32 v20  }
0x190: {  	v18 =	vcvt.s32.f32 v18;
	v21 =	vsub.s32 v26, v21;
	v25 =	vsub.f32 $1.000000000e+00, v33;
	v29 =	vld.idx.msk [tilespmem:v13+s13+$0x0], $0xffff  }
0x191: {  	v23 =	vsub.s32 v32, v23;
	v31 =	vsub.f32 $1.000000000e+00, v36;
	v20 =	vmul.f32 $3.305183330e-07, v20;
	v38 =	vld.idx.msk [tilespmem:v14+s13+$0x0], $0xffff  }
0x192: {  	v39 =	vcvt.s32.f32 v21;
	v21 =	vsub.s32 v33, v25;
	v25 =	vsub.f32 $1.000000000e+00, v16;
	v40 =	vld.idx.msk [tilespmem:v12+s13+$0x0], $0xffff  }
0x193: {  	v41 =	vcvt.s32.f32 v23;
	v23 =	vsub.s32 v36, v31;
	v20 =	vadd.f32 $3.725000000e+01, v20;
	v42 =	vld.idx.msk [tilespmem:v8+s13+$0x0], $0xffff  }
0x194: {  	v31 =	vcvt.s32.f32 v21;
	v21 =	vsub.s32 v16, v25;
	v25 =	vsub.f32 $1.000000000e+00, v17;
	v43 =	vld.idx.msk [tilespmem:v4+s13+$0x0], $0xffff;
	[tilespmem:s28+$0x10070] =	vst v22  }
0x195: {  	v44 =	vcvt.s32.f32 v23;
	v20 =	vtrunc.f32 v20;
	v22 =	vld.idx.msk [tilespmem:v5+s13+$0x0], $0xffff  }
0x196: {  	v45 =	vcvt.s32.f32 v21;
	v25 =	vsub.s32 v17, v25;
	v23 =	vcvt.f32.s32 v20;
	v21 =	vld.idx.msk [tilespmem:v3+s13+$0x0], $0xffff  }
0x197: {  	v18 =	vmul.f32 $3.305183330e-07, v18;
	vm0 =	vlt.f32 v11, v29;
	v11 =	vmovc v28;
	v20 =	vcvt.s32.f32 v25;
	v30 =	vld.idx.msk [tilespmem:v30+s15+$0x0], $0xffff  }
0x198: {  	v28 =	vmul.f32 $3.305183330e-07, v41;
	vm1 =	vlt.f32 v9, v38;
	v9 =	vmovc v26;
	v25 =	vmul.f32 $3.305183330e-07, v39;
	v34 =	vld.idx.msk [tilespmem:v34+s15+$0x0], $0xffff  }
0x199: {  	v18 =	vadd.f32 $3.725000000e+01, v18;
	v26 =	vmul.f32 $3.305183330e-07, v31;
	v29 =	vmul.f32 $3.305183330e-07, v44;
	v24 =	vld.idx.msk [tilespmem:v24+s15+$0x0], $0xffff  }
0x19a: {  	v38 =	vmul.f32 $3.305183330e-07, v45;
	v31 =	vadd.f32 $3.725000000e+01, v25;
	v20 =	vmul.f32 $3.305183330e-07, v20;
	v37 =	vld.idx.msk [tilespmem:v37+s15+$0x0], $0xffff  }
0x19b: {  	v18 =	vtrunc.f32 v18;
	v39 =	vadd.f32 $3.725000000e+01, v28;
	v26 =	vadd.f32 $3.725000000e+01, v26;
	v25 =	vld.idx.msk [tilespmem:v19+s15+$0x0], $0xffff  }
.Ltmp5:
0x19c: {  	v38 =	vadd.f32 $3.725000000e+01, v38;
	v19 =	vtrunc.f32 v31;
	v31 =	vadd.f32 $3.725000000e+01, v29;
	v28 =	vld.idx.msk [tilespmem:v23+s13+$0x0], $0xffff;
	(pc) =	sbr.rel @p1 .LBB2_7-.Ltmp5, $4  }
0x19d: {  	v39 =	vtrunc.f32 v39;
	v29 =	vtrunc.f32 v26;
	v41 =	vadd.f32 $3.725000000e+01, v20;
	[tilespmem:s26+$0x10000] =	vst v30;
	v26 =	vld.idx.msk [tilespmem:v27+s15+$0x0], $0xffff  }
0x19e: {  	vm2 =	vlt.f32 v10, v40;
	v10 =	vmovc v32;
	v31 =	vtrunc.f32 v31;
	v30 =	vtrunc.f32 v38;
	[tilespmem:s26+$0x10010] =	vst v34;
	v27 =	vld.idx.msk [tilespmem:v35+s15+$0x0], $0xffff  }
0x19f: {  	vm3 =	vlt.f32 v6, v42;
	v6 =	vmovc v33;
	v20 =	vcvt.f32.s32 v18;
	v32 =	vtrunc.f32 v41;
	[tilespmem:s26+$0x10020] =	vst v24  }
0x1a0: {  	s31 =	sadd.s32 $0x200, s31;
	vm4 =	vlt.f32 v7, v43;
	v7 =	vmovc v36;
	v24 =	vcvt.f32.s32 v19;
	v19 =	vcvt.f32.s32 v39;
	[tilespmem:s26+$0x10030] =	vst v37  }
0x1a1: {  	_ = 	snop  }
0x1a2: {  	v18 =	vcvt.f32.s32 v29  }
0x1a3: {  	v40 =	vcvt.f32.s32 v31  }
0x1a4: {  	v41 =	vcvt.f32.s32 v30  }
0x1a5: {  	v42 =	vcvt.f32.s32 v32;
	v43 =	vld.idx.msk [tilespmem:v20+s13+$0x0], $0xffff  }
0x1a6: {  	v44 =	vsel vm0, $0xFFFFFFFF, v0;
	v45 =	vld.idx.msk [tilespmem:v24+s13+$0x0], $0xffff  }
0x1a7: {  	v33 =	vsel vm1, $0xFFFFFFFF, v0;
	v13 =	vadd.s32 v44, v13;
	v46 =	vld.idx.msk [tilespmem:v19+s13+$0x0], $0xffff  }
0x1a8: {  	v34 =	vsel vm2, $0xFFFFFFFF, v0;
	v14 =	vadd.s32 v33, v14;
	v47 =	vld.idx.msk [tilespmem:v18+s13+$0x0], $0xffff  }
0x1a9: {  	vm5 =	vlt.f32 v15, v28;
	v35 =	vsel vm3, $0xFFFFFFFF, v0;
	v12 =	vadd.s32 v34, v12;
	v48 =	vld.idx.msk [tilespmem:v40+s13+$0x0], $0xffff  }
0x1aa: {  	vm7 =	vlt.f32 v1, v22;
	v1 =	vsel vm4, $0xFFFFFFFF, v0;
	v8 =	vadd.s32 v35, v8;
	v49 =	vld.idx.msk [tilespmem:v41+s13+$0x0], $0xffff  }
0x1ab: {  	v15 =	vsel vm5, $0xFFFFFFFF, v0;
	v1 =	vadd.s32 v1, v4;
	v50 =	vld.idx.msk [tilespmem:v42+s13+$0x0], $0xffff  }
0x1ac: {  	vm8 =	vlt.f32 v2, v21;
	v2 =	vsel vm7, $0xFFFFFFFF, v0;
	v15 =	vadd.s32 v15, v23;
	v52 =	vld.idx.msk [tilespmem:v13+s15+$0x0], $0xffff  }
0x1ad: {  	v51 =	vsel vm8, $0xFFFFFFFF, v0;
	v2 =	vadd.s32 v2, v5;
	vm9 =	vlt.f32 v11, v43;
	v53 =	vld.idx.msk [tilespmem:v14+s15+$0x0], $0xffff  }
0x1ae: {  	[tilespmem:s26+$0x10040] =	vst v25;
	v3 =	vadd.s32 v51, v3;
	vm10 =	vlt.f32 v9, v45;
	v54 =	vsel vm9, $0xFFFFFFFF, v0;
	v12 =	vld.idx.msk [tilespmem:v12+s15+$0x0], $0xffff  }
0x1af: {  	[tilespmem:s26+$0x10050] =	vst v26;
	vm11 =	vlt.f32 v10, v46;
	v8 =	vld.idx.msk [tilespmem:v8+s15+$0x0], $0xffff;
	v55 =	vsel vm10, $0xFFFFFFFF, v0;
	v9 =	vadd.s32 v54, v20  }
0x1b0: {  	[tilespmem:s26+$0x10060] =	vst v27;
	v1 =	vld.idx.msk [tilespmem:v1+s15+$0x0], $0xffff;
	v56 =	vsel vm11, $0xFFFFFFFF, v0;
	v10 =	vadd.s32 v55, v24;
	vm12 =	vlt.f32 v6, v47  }
0x1b1: {  	v15 =	vld.idx.msk [tilespmem:v15+s15+$0x0], $0xffff;
	vm13 =	vlt.f32 v7, v48;
	v6 =	vadd.s32 v56, v19;
	[tilespmem:s28+$0x10000] =	vst v52;
	v57 =	vsel vm12, $0xFFFFFFFF, v0  }
0x1b2: {  	v2 =	vld.idx.msk [tilespmem:v2+s15+$0x0], $0xffff;
	vm14 =	vlt.f32 v16, v49;
	[tilespmem:s28+$0x10010] =	vst v53;
	v58 =	vsel vm13, $0xFFFFFFFF, v0;
	v7 =	vadd.s32 v57, v18  }
0x1b3: {  	v3 =	vld.idx.msk [tilespmem:v3+s15+$0x0], $0xffff;
	vm15 =	vlt.f32 v17, v50;
	[tilespmem:s28+$0x10020] =	vst v12;
	v59 =	vsel vm14, $0xFFFFFFFF, v0;
	v60 =	vadd.s32 v58, v40  }
0x1b4: {  	[tilespmem:s28+$0x10030] =	vst v8;
	v61 =	vsel vm15, $0xFFFFFFFF, v0;
	v9 =	vld.idx.msk [tilespmem:v9+s15+$0x0], $0xffff;
	v4 =	vadd.s32 v59, v41  }
0x1b5: {  	[tilespmem:s28+$0x10040] =	vst v1;
	v62 =	vadd.s32 v61, v42;
	v10 =	vld.idx.msk [tilespmem:v10+s15+$0x0], $0xffff  }
0x1b6: {  	[tilespmem:s29+$0x10070] =	vst v15;
	v1 =	vld.idx.msk [tilespmem:v6+s15+$0x0], $0xffff  }
0x1b7: {  	[tilespmem:s28+$0x10050] =	vst v2;
	v2 =	vld.idx.msk [tilespmem:v7+s15+$0x0], $0xffff  }
0x1b8: {  	[tilespmem:s28+$0x10060] =	vst v3;
	v3 =	vld.idx.msk [tilespmem:v60+s15+$0x0], $0xffff  }
0x1b9: {  	[tilespmem:s29+$0x10000] =	vst v9;
	v4 =	vld.idx.msk [tilespmem:v4+s15+$0x0], $0xffff  }
0x1ba: {  	[tilespmem:s29+$0x10010] =	vst v10;
	v63 =	vld.idx.msk [tilespmem:v62+s15+$0x0], $0xffff  }
0x1bb: {  	[tilespmem:s29+$0x10020] =	vst v1  }
0x1bc: {  	[tilespmem:s29+$0x10030] =	vst v2  }
0x1bd: {  	[tilespmem:s29+$0x10040] =	vst v3  }
0x1be: {  	[tilespmem:s29+$0x10050] =	vst v4  }
0x1bf: {  	[tilespmem:s29+$0x10060] =	vst v63  }
0x1c0: {  	[hbm4b:s10+s2] =	stream.linear.scatter [tilespmem:s23], [sflag:$0x6], $0x1000, $0x38;
	[tilespmem:$0x11100] =	vst v63  }
0x1c1: {  	_ =	swait.ge [sflag:s20], $0x3C00  }
0x1c2: {  	[sflag:s20] =	ssyncset.done $0x0  }
0x1c3: {  	[sflag:s20] =	ssyncadd.s32 $0xFFFFC400  }
0x1c4: {  	_ =	swait.ge [sflag:s21], $0x3C00  }
.Ltmp6:
0x1c5: {  	[sflag:s21] =	ssyncset.done $0x0;
	(pc) =	sbr.rel .LBB2_10-.Ltmp6, $4  }
0x1c6: {  	[sflag:s21] =	ssyncadd.s32 $0xFFFFC400  }
0x1c7: {  	_ =	swait.ge [sflag:s24], $0x1000  }
0x1c8: {  	[sflag:s24] =	ssyncset.done $0x0  }
0x1c9: {  	[sflag:s24] =	ssyncadd.s32 $0xFFFFF000  }
.LBB2_11:
0x1ca: {  	_ =	sfence.sel $0x180000  }
0x1cb: {  	[bflag:$0x0] =	sbarrier.arrive $0xFFFF  }
0x1cc: {  	_ =	strace $0x90000047  }
0x1cd: {  	[bflag:$0x2] =	sbarrier.arrive $0xFFFF  }
0x1ce: {  	p0 =	sne.s32 s1, $0x0;
	s0 =	rddreg [dreg:$0x3]  }
0x1cf: {  	s0 =	sadd.s32 @!p0 $0x100000, s0  }
0x1d0: {  	[sflag:s0] =	ssyncadd.tile.s32 @!p0 $0x1;
	_ =	shalt  }
.Lfunc_end2:
_tile_overlayer_lowered:
.L_overlay_start_2:
0x1d1: {  	(tag) =	ssettag $0x2  }
0x1d2: {  	s0 =	rddreg [dreg:$0x0];
	s2 =	stileid.u32  }
0x1d3: {  	s1 =	rddreg [dreg:$0x1];
	p0 =	sne.s32 s2, $0x0  }
0x1d4: {  	s3 =	rddreg [dreg:$0x2];
	[bflag:$0x3] =	sbarrier.arrive $0xFFFF;
	s2 =	simm.s32 @!p0 $0x1C07  }
0x1d5: {  	[timem:s3], [sflag:s2] =	dma.local @!p0 [hbm:s0], s1  }
0x1d6: {  	s0 =	simm.s32 @!p0 $0x7  }
0x1d7: {  	_ =	swait.ge @!p0 [sflag:s0], s1  }
0x1d8: {  	s1 =	ssub.s32 @!p0 $0x0, s1;
	[sflag:s0] =	ssyncset.done @!p0 $0x0  }
0x1d9: {  	[sflag:s0] =	ssyncadd.s32 @!p0 s1  }
0x1da: {  	[bflag:$0x3] =	sbarrier.arrive $0xFFFF  }
0x1db: {  	_ =	shalt  }

</sc_bundles>
